<compile_context>
chip_gen: v7x
topology: tpu7x:2x2x1
jax: 0.10.2.dev20260603
libtpu: 0.0.44.dev20260713+nightly
codegen_flags: <defaults>
</compile_context>

<pallas_src>
import functools

import jax
import jax.numpy as jnp
from jax import lax
from jax.experimental import pallas as pl
from jax.experimental.pallas import tpu as pltpu
from jax.experimental.pallas import tpu_sc as plsc

N_ATOMS = 100000
N_EDGES = 6400000
N_GRAPHS = 64
D3_AUTOANG = 0.52917726
D3_AUTOEV = 27.21138505

NC = 2
NS = 16
NW = NC * NS
L = 16

EPW = N_EDGES // NW
M = 800
NCHUNK = EPW // M
S = 80
NSUB = M // S
LIT = M // L
R = 16
K = NCHUNK // 2

_mesh = plsc.VectorSubcoreMesh(core_axis_name="c", subcore_axis_name="s")


@functools.partial(
    pl.kernel,
    out_type=jax.ShapeDtypeStruct((NC, N_GRAPHS), jnp.float32),
    mesh=_mesh,
    compiler_params=pltpu.CompilerParams(
        needs_layout_passes=False, use_tc_tiling_on_sc=False),
    scratch_types=[
        pltpu.VMEM((NSUB, S), jnp.int32),
        pltpu.VMEM((NSUB, S), jnp.int32),
        pltpu.VMEM((M,), jnp.int32),
        pltpu.VMEM((NSUB, S), jnp.int32),
        pltpu.VMEM((NSUB, S), jnp.int32),
        pltpu.VMEM((M,), jnp.int32),
        pltpu.VMEM((M, R), jnp.int32),
        pltpu.VMEM((M, R), jnp.int32),
        pltpu.VMEM((M, R), jnp.int32),
        pltpu.VMEM((M, R), jnp.int32),
        pltpu.VMEM((N_GRAPHS, L), jnp.float32),
        pltpu.VMEM((95, 95), jnp.float32),
        pltpu.VMEM((N_GRAPHS,), jnp.float32),
        pltpu.VMEM((N_GRAPHS,), jnp.int32),
        pltpu.VMEM_SHARED((N_GRAPHS,), jnp.float32),
        pltpu.SemaphoreType.DMA,
        pltpu.SemaphoreType.DMA,
        pltpu.SemaphoreType.DMA,
        pltpu.SemaphoreType.DMA,
        pltpu.SemaphoreType.DMA,
        pltpu.SemaphoreType.DMA,
        pltpu.SemaphoreType.DMA,
        pltpu.SemaphoreType.DMA,
    ],
)
def _dftd_sc(atoms_hbm, src_hbm, dst_hbm, batch_hbm, c6_hbm, out_hbm,
             src_v0, dst_v0, batch_v0, src_v1, dst_v1, batch_v1,
             srows0, drows0, srows1, drows1, acc, c6_v, part_v,
             idx64, shared, sem_s0, sem_d0, sem_s1, sem_d1, sem_l0, sem_l1,
             sem_b0, sem_b1):
    cid = lax.axis_index("c")
    sid = lax.axis_index("s")
    wid = cid * NS + sid

    iota = lax.iota(jnp.int32, L)
    zf = jnp.zeros((L,), jnp.float32)

    pltpu.sync_copy(c6_hbm, c6_v)
    for k in range(N_GRAPHS // L):
        idx64[pl.ds(k * L, L)] = iota + k * L
        part_v[pl.ds(k * L, L)] = zf

    def _zero_acc(g, carry):
        acc[g, :] = zf
        return carry

    lax.fori_loop(0, N_GRAPHS, _zero_acc, 0)

    @pl.when(sid == 0)
    def _():
        pltpu.sync_copy(part_v, shared)

    plsc.subcore_barrier()

    inv_ang2 = jnp.float32(1.0 / (D3_AUTOANG * D3_AUTOANG))
    col = [jnp.full((L,), c, jnp.int32) for c in range(4)]

    def _lin_async(m, sv, dv, sem):
        row0 = (wid * EPW + m * M) // S
        pltpu.async_copy(src_hbm.at[pl.ds(row0, NSUB)], sv, sem)
        pltpu.async_copy(dst_hbm.at[pl.ds(row0, NSUB)], dv, sem)

    def _lin_wait(sv, dv, sem):
        pltpu.make_async_copy(src_hbm.at[pl.ds(0, NSUB)], sv, sem).wait()
        pltpu.make_async_copy(dst_hbm.at[pl.ds(0, NSUB)], dv, sem).wait()

    def _batch_async(m, bv, sem):
        base = wid * EPW + m * M
        pltpu.async_copy(batch_hbm.at[pl.ds(base, M)], bv, sem)

    def _batch_wait(bv, sem):
        pltpu.make_async_copy(batch_hbm.at[pl.ds(0, M)], bv, sem).wait()

    def _fire(sv, dv, sr, dr, ss, sd):
        def _g(j, c2):
            o = j * S
            pltpu.async_copy(atoms_hbm.at[sv.at[j]], sr.at[pl.ds(o, S)], ss)
            pltpu.async_copy(atoms_hbm.at[dv.at[j]], dr.at[pl.ds(o, S)], sd)
            return c2

        lax.fori_loop(0, NSUB, _g, 0)

    def _drain(sr, dr, ss, sd):
        pltpu.make_async_copy(atoms_hbm.at[pl.ds(0, M)], sr, ss).wait()
        pltpu.make_async_copy(atoms_hbm.at[pl.ds(0, M)], dr, sd).wait()

    def _compute(sr, dr, bv):
        def _one(i):
            ridx = iota + i * L
            xs = plsc.bitcast(plsc.load_gather(sr, [ridx, col[0]]), jnp.float32)
            ys = plsc.bitcast(plsc.load_gather(sr, [ridx, col[1]]), jnp.float32)
            zs = plsc.bitcast(plsc.load_gather(sr, [ridx, col[2]]), jnp.float32)
            zsrc = plsc.load_gather(sr, [ridx, col[3]])
            xd = plsc.bitcast(plsc.load_gather(dr, [ridx, col[0]]), jnp.float32)
            yd = plsc.bitcast(plsc.load_gather(dr, [ridx, col[1]]), jnp.float32)
            zd = plsc.bitcast(plsc.load_gather(dr, [ridx, col[2]]), jnp.float32)
            zdst = plsc.load_gather(dr, [ridx, col[3]])

            dx = xd - xs
            dy = yd - ys
            dz = zd - zs
            r2 = (dx * dx + dy * dy + dz * dz) * inv_ang2 + jnp.float32(1e-6)
            r6 = r2 * r2 * r2
            v = jnp.float32(9.0) / r2
            v2 = v * v
            v4 = v2 * v2
            w = v4 * v2 * v
            den = r6 * (jnp.float32(1.0) + jnp.float32(6.0) * w)
            c6 = plsc.load_gather(c6_v, [zsrc, zdst])
            e = jnp.float32(-0.5 * D3_AUTOEV) * c6 / den

            g = bv[pl.ds(i * L, L)]
            plsc.addupdate_scatter(acc, [g, iota], e)

        def _lanes(i2, c2):
            _one(2 * i2)
            _one(2 * i2 + 1)
            return c2

        lax.fori_loop(0, LIT // 2, _lanes, 0)

    _lin_async(0, src_v0, dst_v0, sem_l0)
    _lin_wait(src_v0, dst_v0, sem_l0)
    _fire(src_v0, dst_v0, srows0, drows0, sem_s0, sem_d0)
    _batch_async(0, batch_v0, sem_b0)
    _lin_async(1, src_v1, dst_v1, sem_l1)
    _batch_async(1, batch_v1, sem_b1)

    def _pair(k, carry):
        m0 = 2 * k
        not_last = k < K - 1

        _lin_wait(src_v1, dst_v1, sem_l1)
        _fire(src_v1, dst_v1, srows1, drows1, sem_s1, sem_d1)

        _drain(srows0, drows0, sem_s0, sem_d0)

        @pl.when(not_last)
        def _():
            _lin_async(m0 + 2, src_v0, dst_v0, sem_l0)

        _batch_wait(batch_v0, sem_b0)
        _compute(srows0, drows0, batch_v0)

        @pl.when(not_last)
        def _():
            _lin_wait(src_v0, dst_v0, sem_l0)
            _fire(src_v0, dst_v0, srows0, drows0, sem_s0, sem_d0)
            _batch_async(m0 + 2, batch_v0, sem_b0)

        _drain(srows1, drows1, sem_s1, sem_d1)

        @pl.when(not_last)
        def _():
            _lin_async(m0 + 3, src_v1, dst_v1, sem_l1)

        _batch_wait(batch_v1, sem_b1)
        _compute(srows1, drows1, batch_v1)

        @pl.when(not_last)
        def _():
            _batch_async(m0 + 3, batch_v1, sem_b1)

        return carry

    lax.fori_loop(0, K, _pair, 0)

    for grp in range(N_GRAPHS // L):
        gv = iota + grp * L
        s = zf
        for lane in range(L):
            s = s + plsc.load_gather(acc, [gv, jnp.full((L,), lane, jnp.int32)])
        part_v[pl.ds(grp * L, L)] = s

    pltpu.sync_copy(part_v, shared.at[idx64], add=True)
    plsc.subcore_barrier()

    @pl.when(sid == 0)
    def _():
        pltpu.sync_copy(shared, out_hbm.at[cid])


def kernel(Z, pos, edge_index, batch, batch_edge, c6_table):
    zi = Z.astype(jnp.int32)
    atoms = jnp.concatenate(
        [lax.bitcast_convert_type(pos, jnp.int32), zi[:, None],
         jnp.zeros((N_ATOMS, R - 4), jnp.int32)], axis=1)
    src = edge_index[0].astype(jnp.int32).reshape(N_EDGES // S, S)
    dst = edge_index[1].astype(jnp.int32).reshape(N_EDGES // S, S)
    parts = _dftd_sc(atoms, src, dst, batch_edge.astype(jnp.int32),
                     c6_table.astype(jnp.float32))
    return parts[0] + parts[1]

# --- scband reference (transcript-rebuilt; emitter-appended) ---
"""Pipeline reference for scband-base-dftdmodule-26207890440354 (READ-ONLY COPY).

The authoritative reference and input builder live on the scoring server;
editing this copy changes nothing except your own understanding.
"""

import jax, jax.numpy as jnp
import numpy as np

N_ATOMS = 100000
N_EDGES = 6400000
N_GRAPHS = 64
MAX_Z = 95
D3_AUTOANG = 0.52917726
D3_AUTOEV = 27.21138505


def setup_inputs(seed: int = 0) -> dict:
    key = jax.random.key(seed)
    k1, k2, k3, k4, k5, k6 = jax.random.split(key, 6)
    Z = jax.random.randint(k1, (N_ATOMS,), 0, MAX_Z)
    pos = jax.random.normal(k2, (N_ATOMS, 3), dtype=jnp.float32) * 5.0
    edge_index = jax.random.randint(k3, (2, N_EDGES), 0, N_ATOMS)
    batch = jnp.sort(jax.random.randint(k4, (N_ATOMS,), 0, N_GRAPHS))
    batch_edge = jnp.sort(jax.random.randint(k5, (N_EDGES,), 0, N_GRAPHS))
    # learned/tabulated C6 coefficient table indexed by atomic-number pairs
    c6_table = jax.random.uniform(k6, (MAX_Z, MAX_Z), dtype=jnp.float32) * 10.0 + 1.0
    return {"Z": Z, "pos": pos, "edge_index": edge_index, "batch": batch, "batch_edge": batch_edge, "c6_table": c6_table}


def reference(Z, pos, edge_index, batch, batch_edge, c6_table):
    # DFT-D3-style two-body dispersion with zero damping:
    # gather atom positions per edge, per-edge -C6/r^6 * f_damp, then
    # segment-sum per-edge energies into per-graph dispersion energies.
    src = edge_index[0]
    dst = edge_index[1]
    rij = (pos[dst] - pos[src]) / D3_AUTOANG  # angstrom -> bohr
    r2 = jnp.sum(rij * rij, axis=-1) + 1e-6
    r6 = r2 ** 3
    c6 = c6_table[Z[src], Z[dst]]
    r0 = 3.0
    fdamp = 1.0 / (1.0 + 6.0 * (r2 / (r0 * r0)) ** (-7.0))
    e_edge = -0.5 * c6 / r6 * fdamp
    E_disp = jax.ops.segment_sum(e_edge, batch_edge, num_segments=N_GRAPHS)
    return E_disp * D3_AUTOEV

if __name__ == "__main__":
    import jax
    _d = setup_inputs()
    print(jax.jit(kernel)(*tuple(_d.values())))

</pallas_src>

<mosaic_0001>
#map = affine_map<(d0, d1) -> (0, 0)>
#map1 = affine_map<(d0, d1) -> (0)>
module attributes {stable_mosaic.version = 14 : i64} {
  func.func @_dftd_sc(%arg0: i32, %arg1: i32, %arg2: memref<100000x16xi32, #tpu.memory_space<hbm>>, %arg3: memref<80000x80xi32, #tpu.memory_space<hbm>>, %arg4: memref<80000x80xi32, #tpu.memory_space<hbm>>, %arg5: memref<6400000xi32, #tpu.memory_space<hbm>>, %arg6: memref<95x95xf32, #tpu.memory_space<hbm>>, %arg7: memref<2x64xf32, #tpu.memory_space<hbm>>, %arg8: memref<10x80xi32, #tpu.memory_space<vmem>>, %arg9: memref<10x80xi32, #tpu.memory_space<vmem>>, %arg10: memref<800xi32, #tpu.memory_space<vmem>>, %arg11: memref<10x80xi32, #tpu.memory_space<vmem>>, %arg12: memref<10x80xi32, #tpu.memory_space<vmem>>, %arg13: memref<800xi32, #tpu.memory_space<vmem>>, %arg14: memref<800x16xi32, #tpu.memory_space<vmem>>, %arg15: memref<800x16xi32, #tpu.memory_space<vmem>>, %arg16: memref<800x16xi32, #tpu.memory_space<vmem>>, %arg17: memref<800x16xi32, #tpu.memory_space<vmem>>, %arg18: memref<64x16xf32, #tpu.memory_space<vmem>>, %arg19: memref<95x95xf32, #tpu.memory_space<vmem>>, %arg20: memref<64xf32, #tpu.memory_space<vmem>>, %arg21: memref<64xi32, #tpu.memory_space<vmem>>, %arg22: memref<64xf32, #tpu.memory_space<vmem_shared>>, %arg23: memref<!tpu.dma_semaphore, #tpu.memory_space<semaphore_mem>>, %arg24: memref<!tpu.dma_semaphore, #tpu.memory_space<semaphore_mem>>, %arg25: memref<!tpu.dma_semaphore, #tpu.memory_space<semaphore_mem>>, %arg26: memref<!tpu.dma_semaphore, #tpu.memory_space<semaphore_mem>>, %arg27: memref<!tpu.dma_semaphore, #tpu.memory_space<semaphore_mem>>, %arg28: memref<!tpu.dma_semaphore, #tpu.memory_space<semaphore_mem>>, %arg29: memref<!tpu.dma_semaphore, #tpu.memory_space<semaphore_mem>>, %arg30: memref<!tpu.dma_semaphore, #tpu.memory_space<semaphore_mem>>) attributes {dimension_semantics = [#tpu.dimension_semantics<core_parallel>, #tpu.dimension_semantics<subcore_parallel>], iteration_bounds = array<i64: 2, 16>, scalar_prefetch = 0 : i64, scratch_operands = 23 : i64, tpu.core_type = #tpu.core_type<sc_vector_subcore>, window_params = [{transform_indices = #map}, {transform_indices = #map}, {transform_indices = #map}, {transform_indices = #map1}, {transform_indices = #map}, {transform_indices = #map}]} {
    %mul3A = arith.constant 16 : i32
    %mul3A_0 = arith.muli %arg0, %mul3A : i32
    %add3A = arith.addi %mul3A_0, %arg1 : i32
    %iota3A = tpu.iota {dimensions = array<i32: 0>} : vector<16xi32>
    %broadcast_in_dim3A = arith.constant 0.000000e+00 : f32
    %broadcast_in_dim3A_1 = vector.broadcast %broadcast_in_dim3A : f32 to vector<16xf32>
    "tpu.region"() ({
      %run_scoped3A = tpu.sem_alloc : memref<!tpu.dma_semaphore, #tpu.memory_space<semaphore_mem>>
      tpu.enqueue_dma source(%arg6 : memref<95x95xf32, #tpu.memory_space<hbm>>) target(%arg19 : memref<95x95xf32, #tpu.memory_space<vmem>>) target_semaphore(%run_scoped3A : memref<!tpu.dma_semaphore, #tpu.memory_space<semaphore_mem>>)
      tpu.wait_dma2 semaphore(%run_scoped3A : memref<!tpu.dma_semaphore, #tpu.memory_space<semaphore_mem>>) src(%arg6 : memref<95x95xf32, #tpu.memory_space<hbm>>) dst(%arg19 : memref<95x95xf32, #tpu.memory_space<vmem>>)
      tpu.yield
    }) : () -> ()
    %add3A_2 = arith.constant 0 : i32
    %add3A_3 = vector.broadcast %add3A_2 : i32 to vector<16xi32>
    %add3A_4 = arith.addi %iota3A, %add3A_3 : vector<16xi32>
    %swap3A = arith.constant 0 : index
    %swap3A_5 = tpu.vector_load %arg21[%swap3A] {strides = array<i32>} : memref<64xi32, #tpu.memory_space<vmem>>, vector<16xi32>,
    tpu.vector_store %arg21[%swap3A], %add3A_4 {strides = array<i32>} : memref<64xi32, #tpu.memory_space<vmem>>, vector<16xi32>,
    %swap3A_6 = arith.constant 0 : index
    %swap3A_7 = tpu.vector_load %arg20[%swap3A_6] {strides = array<i32>} : memref<64xf32, #tpu.memory_space<vmem>>, vector<16xf32>,
    tpu.vector_store %arg20[%swap3A_6], %broadcast_in_dim3A_1 {strides = array<i32>} : memref<64xf32, #tpu.memory_space<vmem>>, vector<16xf32>,
    %add3A_8 = arith.constant 16 : i32
    %add3A_9 = vector.broadcast %add3A_8 : i32 to vector<16xi32>
    %add3A_10 = arith.addi %iota3A, %add3A_9 : vector<16xi32>
    %swap3A_11 = arith.constant 16 : index
    %swap3A_12 = tpu.vector_load %arg21[%swap3A_11] {strides = array<i32>} : memref<64xi32, #tpu.memory_space<vmem>>, vector<16xi32>,
    tpu.vector_store %arg21[%swap3A_11], %add3A_10 {strides = array<i32>} : memref<64xi32, #tpu.memory_space<vmem>>, vector<16xi32>,
    %swap3A_13 = arith.constant 16 : index
    %swap3A_14 = tpu.vector_load %arg20[%swap3A_13] {strides = array<i32>} : memref<64xf32, #tpu.memory_space<vmem>>, vector<16xf32>,
    tpu.vector_store %arg20[%swap3A_13], %broadcast_in_dim3A_1 {strides = array<i32>} : memref<64xf32, #tpu.memory_space<vmem>>, vector<16xf32>,
    %add3A_15 = arith.constant 32 : i32
    %add3A_16 = vector.broadcast %add3A_15 : i32 to vector<16xi32>
    %add3A_17 = arith.addi %iota3A, %add3A_16 : vector<16xi32>
    %swap3A_18 = arith.constant 32 : index
    %swap3A_19 = tpu.vector_load %arg21[%swap3A_18] {strides = array<i32>} : memref<64xi32, #tpu.memory_space<vmem>>, vector<16xi32>,
    tpu.vector_store %arg21[%swap3A_18], %add3A_17 {strides = array<i32>} : memref<64xi32, #tpu.memory_space<vmem>>, vector<16xi32>,
    %swap3A_20 = arith.constant 32 : index
    %swap3A_21 = tpu.vector_load %arg20[%swap3A_20] {strides = array<i32>} : memref<64xf32, #tpu.memory_space<vmem>>, vector<16xf32>,
    tpu.vector_store %arg20[%swap3A_20], %broadcast_in_dim3A_1 {strides = array<i32>} : memref<64xf32, #tpu.memory_space<vmem>>, vector<16xf32>,
    %add3A_22 = arith.constant 48 : i32
    %add3A_23 = vector.broadcast %add3A_22 : i32 to vector<16xi32>
    %add3A_24 = arith.addi %iota3A, %add3A_23 : vector<16xi32>
    %swap3A_25 = arith.constant 48 : index
    %swap3A_26 = tpu.vector_load %arg21[%swap3A_25] {strides = array<i32>} : memref<64xi32, #tpu.memory_space<vmem>>, vector<16xi32>,
    tpu.vector_store %arg21[%swap3A_25], %add3A_24 {strides = array<i32>} : memref<64xi32, #tpu.memory_space<vmem>>, vector<16xi32>,
    %swap3A_27 = arith.constant 48 : index
    %swap3A_28 = tpu.vector_load %arg20[%swap3A_27] {strides = array<i32>} : memref<64xf32, #tpu.memory_space<vmem>>, vector<16xf32>,
    tpu.vector_store %arg20[%swap3A_27], %broadcast_in_dim3A_1 {strides = array<i32>} : memref<64xf32, #tpu.memory_space<vmem>>, vector<16xf32>,
    %scan3A = arith.constant 0 : i32
    %scan3A_29 = arith.constant 0 : i32
    %scan3A_30 = arith.constant 64 : i32
    %scan3A_31 = arith.addi %scan3A_29, %scan3A_30 : i32
    %scan3A_32 = arith.constant 1 : i32
    scf.for %scan3A_424 = %scan3A_29 to %scan3A_31 step %scan3A_32  : i32 {
      %swap3A_425 = arith.index_cast %scan3A_424 : i32 to index
      %swap3A_426 = arith.constant 0 : index
      %swap3A_427 = tpu.vector_load %arg18[%swap3A_425, %swap3A_426] {strides = array<i32>} : memref<64x16xf32, #tpu.memory_space<vmem>>, vector<16xf32>,
      tpu.vector_store %arg18[%swap3A_425, %swap3A_426], %broadcast_in_dim3A_1 {strides = array<i32>} : memref<64x16xf32, #tpu.memory_space<vmem>>, vector<16xf32>,
    }
    %scan3A_33 = arith.constant 64 : i32
    %eq3A = arith.constant 0 : i32
    %eq3A_34 = arith.cmpi eq, %arg1, %eq3A : i32
    %convert_element_type3A = arith.extui %eq3A_34 : i1 to i32
    %cond3A = arith.constant 0 : i32
    %cond3A_35 = arith.cmpi ne, %convert_element_type3A, %cond3A : i32
    scf.if %cond3A_35 {
      "tpu.region"() ({
        %run_scoped3A = tpu.sem_alloc : memref<!tpu.dma_semaphore, #tpu.memory_space<semaphore_mem>>
        tpu.enqueue_dma source(%arg20 : memref<64xf32, #tpu.memory_space<vmem>>) target(%arg22 : memref<64xf32, #tpu.memory_space<vmem_shared>>) target_semaphore(%run_scoped3A : memref<!tpu.dma_semaphore, #tpu.memory_space<semaphore_mem>>)
        tpu.wait_dma2 semaphore(%run_scoped3A : memref<!tpu.dma_semaphore, #tpu.memory_space<semaphore_mem>>) src(%arg20 : memref<64xf32, #tpu.memory_space<vmem>>) dst(%arg22 : memref<64xf32, #tpu.memory_space<vmem_shared>>)
        tpu.yield
      }) : () -> ()
    } else {
    }
    %barrier3A = arith.constant 0 : index
    tpu.barrier barrier_id(%barrier3A)
    %broadcast_in_dim3A_36 = arith.constant 0 : i32
    %broadcast_in_dim3A_37 = vector.broadcast %broadcast_in_dim3A_36 : i32 to vector<16xi32>
    %broadcast_in_dim3A_38 = arith.constant 1 : i32
    %broadcast_in_dim3A_39 = vector.broadcast %broadcast_in_dim3A_38 : i32 to vector<16xi32>
    %broadcast_in_dim3A_40 = arith.constant 2 : i32
    %broadcast_in_dim3A_41 = vector.broadcast %broadcast_in_dim3A_40 : i32 to vector<16xi32>
    %broadcast_in_dim3A_42 = arith.constant 3 : i32
    %broadcast_in_dim3A_43 = vector.broadcast %broadcast_in_dim3A_42 : i32 to vector<16xi32>
    %mul3A_44 = arith.constant 200000 : i32
    %mul3A_45 = arith.muli %add3A, %mul3A_44 : i32
    %add3A_46 = arith.constant 0 : i32
    %add3A_47 = arith.addi %mul3A_45, %add3A_46 : i32
    %jit3A = arith.constant 80 : i32
    %div3A = arith.divsi %add3A_47, %jit3A : i32
    %sign3A = arith.constant 0 : i32
    %sign3A_48 = arith.cmpi sgt, %add3A_47, %sign3A : i32
    %sign3A_49 = arith.extui %sign3A_48 : i1 to i32
    %sign3A_50 = arith.constant 0 : i32
    %sign3A_51 = arith.cmpi slt, %add3A_47, %sign3A_50 : i32
    %sign3A_52 = arith.extui %sign3A_51 : i1 to i32
    %sign3A_53 = arith.subi %sign3A_49, %sign3A_52 : i32
    %sign3A_54 = arith.constant 0 : i32
    %sign3A_55 = arith.cmpi sgt, %jit3A, %sign3A_54 : i32
    %sign3A_56 = arith.extui %sign3A_55 : i1 to i32
    %sign3A_57 = arith.constant 0 : i32
    %sign3A_58 = arith.cmpi slt, %jit3A, %sign3A_57 : i32
    %sign3A_59 = arith.extui %sign3A_58 : i1 to i32
    %sign3A_60 = arith.subi %sign3A_56, %sign3A_59 : i32
    %ne3A = arith.cmpi ne, %sign3A_53, %sign3A_60 : i32
    %rem3A = arith.remsi %add3A_47, %jit3A : i32
    %ne3A_61 = arith.constant 0 : i32
    %ne3A_62 = arith.cmpi ne, %rem3A, %ne3A_61 : i32
    %and3A = arith.andi %ne3A, %ne3A_62 : i1
    %sub3A = arith.constant 1 : i32
    %sub3A_63 = arith.subi %div3A, %sub3A : i32
    %select_n3A = arith.select %and3A, %sub3A_63, %div3A : i32
    %dma_start3A = arith.constant 0 : i32
    %dma_start3A_64 = tpu.memref_slice %arg3[%select_n3A, %dma_start3A] : memref<80000x80xi32, #tpu.memory_space<hbm>> -> memref<10x80xi32, #tpu.memory_space<hbm>>
    %dma_start3A_65 = arith.constant 0 : i32
    %dma_start3A_66 = tpu.memref_slice %arg3[%select_n3A, %dma_start3A_65] : memref<80000x80xi32, #tpu.memory_space<hbm>> -> memref<10x80xi32, #tpu.memory_space<hbm>>
    tpu.enqueue_dma source(%dma_start3A_66 : memref<10x80xi32, #tpu.memory_space<hbm>>) target(%arg8 : memref<10x80xi32, #tpu.memory_space<vmem>>) target_semaphore(%arg27 : memref<!tpu.dma_semaphore, #tpu.memory_space<semaphore_mem>>)
    %dma_start3A_67 = arith.constant 0 : i32
    %dma_start3A_68 = tpu.memref_slice %arg4[%select_n3A, %dma_start3A_67] : memref<80000x80xi32, #tpu.memory_space<hbm>> -> memref<10x80xi32, #tpu.memory_space<hbm>>
    %dma_start3A_69 = arith.constant 0 : i32
    %dma_start3A_70 = tpu.memref_slice %arg4[%select_n3A, %dma_start3A_69] : memref<80000x80xi32, #tpu.memory_space<hbm>> -> memref<10x80xi32, #tpu.memory_space<hbm>>
    tpu.enqueue_dma source(%dma_start3A_70 : memref<10x80xi32, #tpu.memory_space<hbm>>) target(%arg9 : memref<10x80xi32, #tpu.memory_space<vmem>>) target_semaphore(%arg27 : memref<!tpu.dma_semaphore, #tpu.memory_space<semaphore_mem>>)
    %dma_wait3A = arith.constant 0 : i32
    %dma_wait3A_71 = arith.constant 0 : i32
    %dma_wait3A_72 = tpu.memref_slice %arg3[%dma_wait3A, %dma_wait3A_71] : memref<80000x80xi32, #tpu.memory_space<hbm>> -> memref<10x80xi32, #tpu.memory_space<hbm>>
    %dma_wait3A_73 = arith.constant 0 : i32
    %dma_wait3A_74 = arith.constant 0 : i32
    %dma_wait3A_75 = tpu.memref_slice %arg3[%dma_wait3A_73, %dma_wait3A_74] : memref<80000x80xi32, #tpu.memory_space<hbm>> -> memref<10x80xi32, #tpu.memory_space<hbm>>
    tpu.wait_dma2 semaphore(%arg27 : memref<!tpu.dma_semaphore, #tpu.memory_space<semaphore_mem>>) src(%dma_wait3A_75 : memref<10x80xi32, #tpu.memory_space<hbm>>) dst(%arg8 : memref<10x80xi32, #tpu.memory_space<vmem>>)
    %dma_wait3A_76 = arith.constant 0 : i32
    %dma_wait3A_77 = arith.constant 0 : i32
    %dma_wait3A_78 = tpu.memref_slice %arg4[%dma_wait3A_76, %dma_wait3A_77] : memref<80000x80xi32, #tpu.memory_space<hbm>> -> memref<10x80xi32, #tpu.memory_space<hbm>>
    %dma_wait3A_79 = arith.constant 0 : i32
    %dma_wait3A_80 = arith.constant 0 : i32
    %dma_wait3A_81 = tpu.memref_slice %arg4[%dma_wait3A_79, %dma_wait3A_80] : memref<80000x80xi32, #tpu.memory_space<hbm>> -> memref<10x80xi32, #tpu.memory_space<hbm>>
    tpu.wait_dma2 semaphore(%arg27 : memref<!tpu.dma_semaphore, #tpu.memory_space<semaphore_mem>>) src(%dma_wait3A_81 : memref<10x80xi32, #tpu.memory_space<hbm>>) dst(%arg9 : memref<10x80xi32, #tpu.memory_space<vmem>>)
    %scan3A_82 = arith.constant 0 : i32
    %scan3A_83 = arith.constant 0 : i32
    %scan3A_84 = arith.constant 10 : i32
    %scan3A_85 = arith.addi %scan3A_83, %scan3A_84 : i32
    %scan3A_86 = arith.constant 1 : i32
    scf.for %scan3A_424 = %scan3A_83 to %scan3A_85 step %scan3A_86  : i32 {
      %mul3A_425 = arith.constant 80 : i32
      %mul3A_426 = arith.muli %scan3A_424, %mul3A_425 : i32
      %dma_start3A_427 = arith.constant 0 : i32
      %dma_start3A_428 = tpu.memref_slice %arg14[%mul3A_426, %dma_start3A_427] : memref<800x16xi32, #tpu.memory_space<vmem>> -> memref<80x16xi32, #tpu.memory_space<vmem>>
      %dma_start3A_429 = arith.constant 0 : i32
      %dma_start3A_430 = tpu.memref_slice %arg8[%scan3A_424, %dma_start3A_429] : memref<10x80xi32, #tpu.memory_space<vmem>> -> memref<1x80xi32, #tpu.memory_space<vmem>>
      %dma_start3A_431 = tpu.memref_squeeze %dma_start3A_430 : memref<1x80xi32, #tpu.memory_space<vmem>> -> memref<80xi32, #tpu.memory_space<vmem>>
      %dma_start3A_432 = arith.constant 0 : i32
      %dma_start3A_433 = arith.constant 0 : i32
      %dma_start3A_434 = tpu.memref_slice %arg2[%dma_start3A_432, %dma_start3A_433] : memref<100000x16xi32, #tpu.memory_space<hbm>> -> memref<100000x16xi32, #tpu.memory_space<hbm>>
      tpu.enqueue_indirect_dma source(%dma_start3A_434 : memref<100000x16xi32, #tpu.memory_space<hbm>>) target(%dma_start3A_428 : memref<80x16xi32, #tpu.memory_space<vmem>>) offsets(%dma_start3A_431 : memref<80xi32, #tpu.memory_space<vmem>>) semaphore(%arg23 : memref<!tpu.dma_semaphore, #tpu.memory_space<semaphore_mem>>)
      %dma_start3A_435 = arith.constant 0 : i32
      %dma_start3A_436 = tpu.memref_slice %arg15[%mul3A_426, %dma_start3A_435] : memref<800x16xi32, #tpu.memory_space<vmem>> -> memref<80x16xi32, #tpu.memory_space<vmem>>
      %dma_start3A_437 = arith.constant 0 : i32
      %dma_start3A_438 = tpu.memref_slice %arg9[%scan3A_424, %dma_start3A_437] : memref<10x80xi32, #tpu.memory_space<vmem>> -> memref<1x80xi32, #tpu.memory_space<vmem>>
      %dma_start3A_439 = tpu.memref_squeeze %dma_start3A_438 : memref<1x80xi32, #tpu.memory_space<vmem>> -> memref<80xi32, #tpu.memory_space<vmem>>
      %dma_start3A_440 = arith.constant 0 : i32
      %dma_start3A_441 = arith.constant 0 : i32
      %dma_start3A_442 = tpu.memref_slice %arg2[%dma_start3A_440, %dma_start3A_441] : memref<100000x16xi32, #tpu.memory_space<hbm>> -> memref<100000x16xi32, #tpu.memory_space<hbm>>
      tpu.enqueue_indirect_dma source(%dma_start3A_442 : memref<100000x16xi32, #tpu.memory_space<hbm>>) target(%dma_start3A_436 : memref<80x16xi32, #tpu.memory_space<vmem>>) offsets(%dma_start3A_439 : memref<80xi32, #tpu.memory_space<vmem>>) semaphore(%arg24 : memref<!tpu.dma_semaphore, #tpu.memory_space<semaphore_mem>>)
    }
    %scan3A_87 = arith.constant 10 : i32
    %mul3A_88 = arith.constant 200000 : i32
    %mul3A_89 = arith.muli %add3A, %mul3A_88 : i32
    %add3A_90 = arith.constant 0 : i32
    %add3A_91 = arith.addi %mul3A_89, %add3A_90 : i32
    %dma_start3A_92 = tpu.memref_slice %arg5[%add3A_91] : memref<6400000xi32, #tpu.memory_space<hbm>> -> memref<800xi32, #tpu.memory_space<hbm>>
    %dma_start3A_93 = tpu.memref_slice %arg5[%add3A_91] : memref<6400000xi32, #tpu.memory_space<hbm>> -> memref<800xi32, #tpu.memory_space<hbm>>
    tpu.enqueue_dma source(%dma_start3A_93 : memref<800xi32, #tpu.memory_space<hbm>>) target(%arg10 : memref<800xi32, #tpu.memory_space<vmem>>) target_semaphore(%arg29 : memref<!tpu.dma_semaphore, #tpu.memory_space<semaphore_mem>>)
    %mul3A_94 = arith.constant 200000 : i32
    %mul3A_95 = arith.muli %add3A, %mul3A_94 : i32
    %add3A_96 = arith.constant 800 : i32
    %add3A_97 = arith.addi %mul3A_95, %add3A_96 : i32
    %jit3A_98 = arith.constant 80 : i32
    %div3A_99 = arith.divsi %add3A_97, %jit3A_98 : i32
    %sign3A_100 = arith.constant 0 : i32
    %sign3A_101 = arith.cmpi sgt, %add3A_97, %sign3A_100 : i32
    %sign3A_102 = arith.extui %sign3A_101 : i1 to i32
    %sign3A_103 = arith.constant 0 : i32
    %sign3A_104 = arith.cmpi slt, %add3A_97, %sign3A_103 : i32
    %sign3A_105 = arith.extui %sign3A_104 : i1 to i32
    %sign3A_106 = arith.subi %sign3A_102, %sign3A_105 : i32
    %sign3A_107 = arith.constant 0 : i32
    %sign3A_108 = arith.cmpi sgt, %jit3A_98, %sign3A_107 : i32
    %sign3A_109 = arith.extui %sign3A_108 : i1 to i32
    %sign3A_110 = arith.constant 0 : i32
    %sign3A_111 = arith.cmpi slt, %jit3A_98, %sign3A_110 : i32
    %sign3A_112 = arith.extui %sign3A_111 : i1 to i32
    %sign3A_113 = arith.subi %sign3A_109, %sign3A_112 : i32
    %ne3A_114 = arith.cmpi ne, %sign3A_106, %sign3A_113 : i32
    %rem3A_115 = arith.remsi %add3A_97, %jit3A_98 : i32
    %ne3A_116 = arith.constant 0 : i32
    %ne3A_117 = arith.cmpi ne, %rem3A_115, %ne3A_116 : i32
    %and3A_118 = arith.andi %ne3A_114, %ne3A_117 : i1
    %sub3A_119 = arith.constant 1 : i32
    %sub3A_120 = arith.subi %div3A_99, %sub3A_119 : i32
    %select_n3A_121 = arith.select %and3A_118, %sub3A_120, %div3A_99 : i32
    %dma_start3A_122 = arith.constant 0 : i32
    %dma_start3A_123 = tpu.memref_slice %arg3[%select_n3A_121, %dma_start3A_122] : memref<80000x80xi32, #tpu.memory_space<hbm>> -> memref<10x80xi32, #tpu.memory_space<hbm>>
    %dma_start3A_124 = arith.constant 0 : i32
    %dma_start3A_125 = tpu.memref_slice %arg3[%select_n3A_121, %dma_start3A_124] : memref<80000x80xi32, #tpu.memory_space<hbm>> -> memref<10x80xi32, #tpu.memory_space<hbm>>
    tpu.enqueue_dma source(%dma_start3A_125 : memref<10x80xi32, #tpu.memory_space<hbm>>) target(%arg11 : memref<10x80xi32, #tpu.memory_space<vmem>>) target_semaphore(%arg28 : memref<!tpu.dma_semaphore, #tpu.memory_space<semaphore_mem>>)
    %dma_start3A_126 = arith.constant 0 : i32
    %dma_start3A_127 = tpu.memref_slice %arg4[%select_n3A_121, %dma_start3A_126] : memref<80000x80xi32, #tpu.memory_space<hbm>> -> memref<10x80xi32, #tpu.memory_space<hbm>>
    %dma_start3A_128 = arith.constant 0 : i32
    %dma_start3A_129 = tpu.memref_slice %arg4[%select_n3A_121, %dma_start3A_128] : memref<80000x80xi32, #tpu.memory_space<hbm>> -> memref<10x80xi32, #tpu.memory_space<hbm>>
    tpu.enqueue_dma source(%dma_start3A_129 : memref<10x80xi32, #tpu.memory_space<hbm>>) target(%arg12 : memref<10x80xi32, #tpu.memory_space<vmem>>) target_semaphore(%arg28 : memref<!tpu.dma_semaphore, #tpu.memory_space<semaphore_mem>>)
    %mul3A_130 = arith.constant 200000 : i32
    %mul3A_131 = arith.muli %add3A, %mul3A_130 : i32
    %add3A_132 = arith.constant 800 : i32
    %add3A_133 = arith.addi %mul3A_131, %add3A_132 : i32
    %dma_start3A_134 = tpu.memref_slice %arg5[%add3A_133] : memref<6400000xi32, #tpu.memory_space<hbm>> -> memref<800xi32, #tpu.memory_space<hbm>>
    %dma_start3A_135 = tpu.memref_slice %arg5[%add3A_133] : memref<6400000xi32, #tpu.memory_space<hbm>> -> memref<800xi32, #tpu.memory_space<hbm>>
    tpu.enqueue_dma source(%dma_start3A_135 : memref<800xi32, #tpu.memory_space<hbm>>) target(%arg13 : memref<800xi32, #tpu.memory_space<vmem>>) target_semaphore(%arg30 : memref<!tpu.dma_semaphore, #tpu.memory_space<semaphore_mem>>)
    %scan3A_136 = arith.constant 0 : i32
    %scan3A_137 = arith.constant 3.57106423 : f32
    %scan3A_138 = arith.constant 0 : i32
    %scan3A_139 = arith.constant 125 : i32
    %scan3A_140 = arith.addi %scan3A_138, %scan3A_139 : i32
    %scan3A_141 = arith.constant 1 : i32
    scf.for %scan3A_424 = %scan3A_138 to %scan3A_140 step %scan3A_141  : i32 {
      %mul3A_425 = arith.constant 2 : i32
      %mul3A_426 = arith.muli %mul3A_425, %scan3A_424 : i32
      %lt3A = arith.constant 124 : i32
      %lt3A_427 = arith.cmpi slt, %scan3A_424, %lt3A : i32
      %dma_wait3A_428 = arith.constant 0 : i32
      %dma_wait3A_429 = arith.constant 0 : i32
      %dma_wait3A_430 = tpu.memref_slice %arg3[%dma_wait3A_428, %dma_wait3A_429] : memref<80000x80xi32, #tpu.memory_space<hbm>> -> memref<10x80xi32, #tpu.memory_space<hbm>>
      %dma_wait3A_431 = arith.constant 0 : i32
      %dma_wait3A_432 = arith.constant 0 : i32
      %dma_wait3A_433 = tpu.memref_slice %arg3[%dma_wait3A_431, %dma_wait3A_432] : memref<80000x80xi32, #tpu.memory_space<hbm>> -> memref<10x80xi32, #tpu.memory_space<hbm>>
      tpu.wait_dma2 semaphore(%arg28 : memref<!tpu.dma_semaphore, #tpu.memory_space<semaphore_mem>>) src(%dma_wait3A_433 : memref<10x80xi32, #tpu.memory_space<hbm>>) dst(%arg11 : memref<10x80xi32, #tpu.memory_space<vmem>>)
      %dma_wait3A_434 = arith.constant 0 : i32
      %dma_wait3A_435 = arith.constant 0 : i32
      %dma_wait3A_436 = tpu.memref_slice %arg4[%dma_wait3A_434, %dma_wait3A_435] : memref<80000x80xi32, #tpu.memory_space<hbm>> -> memref<10x80xi32, #tpu.memory_space<hbm>>
      %dma_wait3A_437 = arith.constant 0 : i32
      %dma_wait3A_438 = arith.constant 0 : i32
      %dma_wait3A_439 = tpu.memref_slice %arg4[%dma_wait3A_437, %dma_wait3A_438] : memref<80000x80xi32, #tpu.memory_space<hbm>> -> memref<10x80xi32, #tpu.memory_space<hbm>>
      tpu.wait_dma2 semaphore(%arg28 : memref<!tpu.dma_semaphore, #tpu.memory_space<semaphore_mem>>) src(%dma_wait3A_439 : memref<10x80xi32, #tpu.memory_space<hbm>>) dst(%arg12 : memref<10x80xi32, #tpu.memory_space<vmem>>)
      %scan3A_440 = arith.constant 0 : i32
      %scan3A_441 = arith.constant 0 : i32
      %scan3A_442 = arith.constant 10 : i32
      %scan3A_443 = arith.addi %scan3A_441, %scan3A_442 : i32
      %scan3A_444 = arith.constant 1 : i32
      scf.for %scan3A_502 = %scan3A_441 to %scan3A_443 step %scan3A_444  : i32 {
        %mul3A_503 = arith.constant 80 : i32
        %mul3A_504 = arith.muli %scan3A_502, %mul3A_503 : i32
        %dma_start3A_505 = arith.constant 0 : i32
        %dma_start3A_506 = tpu.memref_slice %arg16[%mul3A_504, %dma_start3A_505] : memref<800x16xi32, #tpu.memory_space<vmem>> -> memref<80x16xi32, #tpu.memory_space<vmem>>
        %dma_start3A_507 = arith.constant 0 : i32
        %dma_start3A_508 = tpu.memref_slice %arg11[%scan3A_502, %dma_start3A_507] : memref<10x80xi32, #tpu.memory_space<vmem>> -> memref<1x80xi32, #tpu.memory_space<vmem>>
        %dma_start3A_509 = tpu.memref_squeeze %dma_start3A_508 : memref<1x80xi32, #tpu.memory_space<vmem>> -> memref<80xi32, #tpu.memory_space<vmem>>
        %dma_start3A_510 = arith.constant 0 : i32
        %dma_start3A_511 = arith.constant 0 : i32
        %dma_start3A_512 = tpu.memref_slice %arg2[%dma_start3A_510, %dma_start3A_511] : memref<100000x16xi32, #tpu.memory_space<hbm>> -> memref<100000x16xi32, #tpu.memory_space<hbm>>
        tpu.enqueue_indirect_dma source(%dma_start3A_512 : memref<100000x16xi32, #tpu.memory_space<hbm>>) target(%dma_start3A_506 : memref<80x16xi32, #tpu.memory_space<vmem>>) offsets(%dma_start3A_509 : memref<80xi32, #tpu.memory_space<vmem>>) semaphore(%arg25 : memref<!tpu.dma_semaphore, #tpu.memory_space<semaphore_mem>>)
        %dma_start3A_513 = arith.constant 0 : i32
        %dma_start3A_514 = tpu.memref_slice %arg17[%mul3A_504, %dma_start3A_513] : memref<800x16xi32, #tpu.memory_space<vmem>> -> memref<80x16xi32, #tpu.memory_space<vmem>>
        %dma_start3A_515 = arith.constant 0 : i32
        %dma_start3A_516 = tpu.memref_slice %arg12[%scan3A_502, %dma_start3A_515] : memref<10x80xi32, #tpu.memory_space<vmem>> -> memref<1x80xi32, #tpu.memory_space<vmem>>
        %dma_start3A_517 = tpu.memref_squeeze %dma_start3A_516 : memref<1x80xi32, #tpu.memory_space<vmem>> -> memref<80xi32, #tpu.memory_space<vmem>>
        %dma_start3A_518 = arith.constant 0 : i32
        %dma_start3A_519 = arith.constant 0 : i32
        %dma_start3A_520 = tpu.memref_slice %arg2[%dma_start3A_518, %dma_start3A_519] : memref<100000x16xi32, #tpu.memory_space<hbm>> -> memref<100000x16xi32, #tpu.memory_space<hbm>>
        tpu.enqueue_indirect_dma source(%dma_start3A_520 : memref<100000x16xi32, #tpu.memory_space<hbm>>) target(%dma_start3A_514 : memref<80x16xi32, #tpu.memory_space<vmem>>) offsets(%dma_start3A_517 : memref<80xi32, #tpu.memory_space<vmem>>) semaphore(%arg26 : memref<!tpu.dma_semaphore, #tpu.memory_space<semaphore_mem>>)
      }
      %scan3A_445 = arith.constant 10 : i32
      %dma_wait3A_446 = arith.constant 0 : i32
      %dma_wait3A_447 = arith.constant 0 : i32
      %dma_wait3A_448 = tpu.memref_slice %arg2[%dma_wait3A_446, %dma_wait3A_447] : memref<100000x16xi32, #tpu.memory_space<hbm>> -> memref<800x16xi32, #tpu.memory_space<hbm>>
      %dma_wait3A_449 = arith.constant 0 : i32
      %dma_wait3A_450 = arith.constant 0 : i32
      %dma_wait3A_451 = tpu.memref_slice %arg2[%dma_wait3A_449, %dma_wait3A_450] : memref<100000x16xi32, #tpu.memory_space<hbm>> -> memref<800x16xi32, #tpu.memory_space<hbm>>
      tpu.wait_dma2 semaphore(%arg23 : memref<!tpu.dma_semaphore, #tpu.memory_space<semaphore_mem>>) src(%dma_wait3A_451 : memref<800x16xi32, #tpu.memory_space<hbm>>) dst(%arg14 : memref<800x16xi32, #tpu.memory_space<vmem>>)
      %dma_wait3A_452 = arith.constant 0 : i32
      %dma_wait3A_453 = arith.constant 0 : i32
      %dma_wait3A_454 = tpu.memref_slice %arg2[%dma_wait3A_452, %dma_wait3A_453] : memref<100000x16xi32, #tpu.memory_space<hbm>> -> memref<800x16xi32, #tpu.memory_space<hbm>>
      %dma_wait3A_455 = arith.constant 0 : i32
      %dma_wait3A_456 = arith.constant 0 : i32
      %dma_wait3A_457 = tpu.memref_slice %arg2[%dma_wait3A_455, %dma_wait3A_456] : memref<100000x16xi32, #tpu.memory_space<hbm>> -> memref<800x16xi32, #tpu.memory_space<hbm>>
      tpu.wait_dma2 semaphore(%arg24 : memref<!tpu.dma_semaphore, #tpu.memory_space<semaphore_mem>>) src(%dma_wait3A_457 : memref<800x16xi32, #tpu.memory_space<hbm>>) dst(%arg15 : memref<800x16xi32, #tpu.memory_space<vmem>>)
      %convert_element_type3A_458 = arith.extui %lt3A_427 : i1 to i32
      %cond3A_459 = arith.constant 0 : i32
      %cond3A_460 = arith.cmpi ne, %convert_element_type3A_458, %cond3A_459 : i32
      scf.if %cond3A_460 {
        %add3A_502 = arith.constant 2 : i32
        %add3A_503 = arith.addi %mul3A_426, %add3A_502 : i32
        %mul3A_504 = arith.constant 200000 : i32
        %mul3A_505 = arith.muli %add3A, %mul3A_504 : i32
        %mul3A_506 = arith.constant 800 : i32
        %mul3A_507 = arith.muli %add3A_503, %mul3A_506 : i32
        %add3A_508 = arith.addi %mul3A_505, %mul3A_507 : i32
        %jit3A_509 = arith.constant 80 : i32
        %div3A_510 = arith.divsi %add3A_508, %jit3A_509 : i32
        %sign3A_511 = arith.constant 0 : i32
        %sign3A_512 = arith.cmpi sgt, %add3A_508, %sign3A_511 : i32
        %sign3A_513 = arith.extui %sign3A_512 : i1 to i32
        %sign3A_514 = arith.constant 0 : i32
        %sign3A_515 = arith.cmpi slt, %add3A_508, %sign3A_514 : i32
        %sign3A_516 = arith.extui %sign3A_515 : i1 to i32
        %sign3A_517 = arith.subi %sign3A_513, %sign3A_516 : i32
        %sign3A_518 = arith.constant 0 : i32
        %sign3A_519 = arith.cmpi sgt, %jit3A_509, %sign3A_518 : i32
        %sign3A_520 = arith.extui %sign3A_519 : i1 to i32
        %sign3A_521 = arith.constant 0 : i32
        %sign3A_522 = arith.cmpi slt, %jit3A_509, %sign3A_521 : i32
        %sign3A_523 = arith.extui %sign3A_522 : i1 to i32
        %sign3A_524 = arith.subi %sign3A_520, %sign3A_523 : i32
        %ne3A_525 = arith.cmpi ne, %sign3A_517, %sign3A_524 : i32
        %rem3A_526 = arith.remsi %add3A_508, %jit3A_509 : i32
        %ne3A_527 = arith.constant 0 : i32
        %ne3A_528 = arith.cmpi ne, %rem3A_526, %ne3A_527 : i32
        %and3A_529 = arith.andi %ne3A_525, %ne3A_528 : i1
        %sub3A_530 = arith.constant 1 : i32
        %sub3A_531 = arith.subi %div3A_510, %sub3A_530 : i32
        %select_n3A_532 = arith.select %and3A_529, %sub3A_531, %div3A_510 : i32
        %dma_start3A_533 = arith.constant 0 : i32
        %dma_start3A_534 = tpu.memref_slice %arg3[%select_n3A_532, %dma_start3A_533] : memref<80000x80xi32, #tpu.memory_space<hbm>> -> memref<10x80xi32, #tpu.memory_space<hbm>>
        %dma_start3A_535 = arith.constant 0 : i32
        %dma_start3A_536 = tpu.memref_slice %arg3[%select_n3A_532, %dma_start3A_535] : memref<80000x80xi32, #tpu.memory_space<hbm>> -> memref<10x80xi32, #tpu.memory_space<hbm>>
        tpu.enqueue_dma source(%dma_start3A_536 : memref<10x80xi32, #tpu.memory_space<hbm>>) target(%arg8 : memref<10x80xi32, #tpu.memory_space<vmem>>) target_semaphore(%arg27 : memref<!tpu.dma_semaphore, #tpu.memory_space<semaphore_mem>>)
        %dma_start3A_537 = arith.constant 0 : i32
        %dma_start3A_538 = tpu.memref_slice %arg4[%select_n3A_532, %dma_start3A_537] : memref<80000x80xi32, #tpu.memory_space<hbm>> -> memref<10x80xi32, #tpu.memory_space<hbm>>
        %dma_start3A_539 = arith.constant 0 : i32
        %dma_start3A_540 = tpu.memref_slice %arg4[%select_n3A_532, %dma_start3A_539] : memref<80000x80xi32, #tpu.memory_space<hbm>> -> memref<10x80xi32, #tpu.memory_space<hbm>>
        tpu.enqueue_dma source(%dma_start3A_540 : memref<10x80xi32, #tpu.memory_space<hbm>>) target(%arg9 : memref<10x80xi32, #tpu.memory_space<vmem>>) target_semaphore(%arg27 : memref<!tpu.dma_semaphore, #tpu.memory_space<semaphore_mem>>)
      } else {
      }
      %dma_wait3A_461 = arith.constant 0 : i32
      %dma_wait3A_462 = tpu.memref_slice %arg5[%dma_wait3A_461] : memref<6400000xi32, #tpu.memory_space<hbm>> -> memref<800xi32, #tpu.memory_space<hbm>>
      %dma_wait3A_463 = arith.constant 0 : i32
      %dma_wait3A_464 = tpu.memref_slice %arg5[%dma_wait3A_463] : memref<6400000xi32, #tpu.memory_space<hbm>> -> memref<800xi32, #tpu.memory_space<hbm>>
      tpu.wait_dma2 semaphore(%arg29 : memref<!tpu.dma_semaphore, #tpu.memory_space<semaphore_mem>>) src(%dma_wait3A_464 : memref<800xi32, #tpu.memory_space<hbm>>) dst(%arg10 : memref<800xi32, #tpu.memory_space<vmem>>)
      %scan3A_465 = arith.constant 0 : i32
      %scan3A_466 = arith.constant 0 : i32
      %scan3A_467 = arith.constant 25 : i32
      %scan3A_468 = arith.addi %scan3A_466, %scan3A_467 : i32
      %scan3A_469 = arith.constant 1 : i32
      scf.for %scan3A_502 = %scan3A_466 to %scan3A_468 step %scan3A_469  : i32 {
        %mul3A_503 = arith.constant 2 : i32
        %mul3A_504 = arith.muli %mul3A_503, %scan3A_502 : i32
        %mul3A_505 = arith.constant 16 : i32
        %mul3A_506 = arith.muli %mul3A_504, %mul3A_505 : i32
        %add3A_507 = vector.broadcast %mul3A_506 : i32 to vector<16xi32>
        %add3A_508 = arith.addi %iota3A, %add3A_507 : vector<16xi32>
        %gather3A_509 = tpu.vector_load_idx %arg14[%add3A_508, %broadcast_in_dim3A_37] : memref<800x16xi32, #tpu.memory_space<vmem>>[vector<16xi32>, vector<16xi32>], vector<16xi32>,
        %bitcast3A = vector.bitcast %gather3A_509 : vector<16xi32> to vector<16xf32>
        %gather3A_510 = tpu.vector_load_idx %arg14[%add3A_508, %broadcast_in_dim3A_39] : memref<800x16xi32, #tpu.memory_space<vmem>>[vector<16xi32>, vector<16xi32>], vector<16xi32>,
        %bitcast3A_511 = vector.bitcast %gather3A_510 : vector<16xi32> to vector<16xf32>
        %gather3A_512 = tpu.vector_load_idx %arg14[%add3A_508, %broadcast_in_dim3A_41] : memref<800x16xi32, #tpu.memory_space<vmem>>[vector<16xi32>, vector<16xi32>], vector<16xi32>,
        %bitcast3A_513 = vector.bitcast %gather3A_512 : vector<16xi32> to vector<16xf32>
        %gather3A_514 = tpu.vector_load_idx %arg14[%add3A_508, %broadcast_in_dim3A_43] : memref<800x16xi32, #tpu.memory_space<vmem>>[vector<16xi32>, vector<16xi32>], vector<16xi32>,
        %gather3A_515 = tpu.vector_load_idx %arg15[%add3A_508, %broadcast_in_dim3A_37] : memref<800x16xi32, #tpu.memory_space<vmem>>[vector<16xi32>, vector<16xi32>], vector<16xi32>,
        %bitcast3A_516 = vector.bitcast %gather3A_515 : vector<16xi32> to vector<16xf32>
        %gather3A_517 = tpu.vector_load_idx %arg15[%add3A_508, %broadcast_in_dim3A_39] : memref<800x16xi32, #tpu.memory_space<vmem>>[vector<16xi32>, vector<16xi32>], vector<16xi32>,
        %bitcast3A_518 = vector.bitcast %gather3A_517 : vector<16xi32> to vector<16xf32>
        %gather3A_519 = tpu.vector_load_idx %arg15[%add3A_508, %broadcast_in_dim3A_41] : memref<800x16xi32, #tpu.memory_space<vmem>>[vector<16xi32>, vector<16xi32>], vector<16xi32>,
        %bitcast3A_520 = vector.bitcast %gather3A_519 : vector<16xi32> to vector<16xf32>
        %gather3A_521 = tpu.vector_load_idx %arg15[%add3A_508, %broadcast_in_dim3A_43] : memref<800x16xi32, #tpu.memory_space<vmem>>[vector<16xi32>, vector<16xi32>], vector<16xi32>,
        %sub3A_522 = arith.subf %bitcast3A_516, %bitcast3A : vector<16xf32>
        %sub3A_523 = arith.subf %bitcast3A_518, %bitcast3A_511 : vector<16xf32>
        %sub3A_524 = arith.subf %bitcast3A_520, %bitcast3A_513 : vector<16xf32>
        %mul3A_525 = arith.mulf %sub3A_522, %sub3A_522 : vector<16xf32>
        %mul3A_526 = arith.mulf %sub3A_523, %sub3A_523 : vector<16xf32>
        %add3A_527 = arith.addf %mul3A_525, %mul3A_526 : vector<16xf32>
        %mul3A_528 = arith.mulf %sub3A_524, %sub3A_524 : vector<16xf32>
        %add3A_529 = arith.addf %add3A_527, %mul3A_528 : vector<16xf32>
        %mul3A_530 = vector.broadcast %scan3A_137 : f32 to vector<16xf32>
        %mul3A_531 = arith.mulf %add3A_529, %mul3A_530 : vector<16xf32>
        %add3A_532 = arith.constant 9.99999997E-7 : f32
        %add3A_533 = vector.broadcast %add3A_532 : f32 to vector<16xf32>
        %add3A_534 = arith.addf %mul3A_531, %add3A_533 : vector<16xf32>
        %mul3A_535 = arith.mulf %add3A_534, %add3A_534 : vector<16xf32>
        %mul3A_536 = arith.mulf %mul3A_535, %add3A_534 : vector<16xf32>
        %div3A_537 = arith.constant 9.000000e+00 : f32
        %div3A_538 = vector.broadcast %div3A_537 : f32 to vector<16xf32>
        %div3A_539 = arith.divf %div3A_538, %add3A_534 : vector<16xf32>
        %mul3A_540 = arith.mulf %div3A_539, %div3A_539 : vector<16xf32>
        %mul3A_541 = arith.mulf %mul3A_540, %mul3A_540 : vector<16xf32>
        %mul3A_542 = arith.mulf %mul3A_541, %mul3A_540 : vector<16xf32>
        %mul3A_543 = arith.mulf %mul3A_542, %div3A_539 : vector<16xf32>
        %mul3A_544 = arith.constant 6.000000e+00 : f32
        %mul3A_545 = vector.broadcast %mul3A_544 : f32 to vector<16xf32>
        %mul3A_546 = arith.mulf %mul3A_545, %mul3A_543 : vector<16xf32>
        %add3A_547 = arith.constant 1.000000e+00 : f32
        %add3A_548 = vector.broadcast %add3A_547 : f32 to vector<16xf32>
        %add3A_549 = arith.addf %add3A_548, %mul3A_546 : vector<16xf32>
        %mul3A_550 = arith.mulf %mul3A_536, %add3A_549 : vector<16xf32>
        %gather3A_551 = tpu.vector_load_idx %arg19[%gather3A_514, %gather3A_521] : memref<95x95xf32, #tpu.memory_space<vmem>>[vector<16xi32>, vector<16xi32>], vector<16xf32>,
        %mul3A_552 = arith.constant -13.6056929 : f32
        %mul3A_553 = vector.broadcast %mul3A_552 : f32 to vector<16xf32>
        %mul3A_554 = arith.mulf %mul3A_553, %gather3A_551 : vector<16xf32>
        %div3A_555 = arith.divf %mul3A_554, %mul3A_550 : vector<16xf32>
        %mul3A_556 = arith.constant 16 : i32
        %mul3A_557 = arith.muli %mul3A_504, %mul3A_556 : i32
        %get3A = arith.index_cast %mul3A_557 : i32 to index
        %get3A_558 = tpu.vector_load %arg10[%get3A] {strides = array<i32>} : memref<800xi32, #tpu.memory_space<vmem>>, vector<16xi32>,
        tpu.vector_store_idx %arg18[%get3A_558, %iota3A], %div3A_555 {add = true} : memref<64x16xf32, #tpu.memory_space<vmem>>[vector<16xi32>, vector<16xi32>], vector<16xf32>,
        %mul3A_559 = arith.constant 2 : i32
        %mul3A_560 = arith.muli %mul3A_559, %scan3A_502 : i32
        %add3A_561 = arith.constant 1 : i32
        %add3A_562 = arith.addi %mul3A_560, %add3A_561 : i32
        %mul3A_563 = arith.constant 16 : i32
        %mul3A_564 = arith.muli %add3A_562, %mul3A_563 : i32
        %add3A_565 = vector.broadcast %mul3A_564 : i32 to vector<16xi32>
        %add3A_566 = arith.addi %iota3A, %add3A_565 : vector<16xi32>
        %gather3A_567 = tpu.vector_load_idx %arg14[%add3A_566, %broadcast_in_dim3A_37] : memref<800x16xi32, #tpu.memory_space<vmem>>[vector<16xi32>, vector<16xi32>], vector<16xi32>,
        %bitcast3A_568 = vector.bitcast %gather3A_567 : vector<16xi32> to vector<16xf32>
        %gather3A_569 = tpu.vector_load_idx %arg14[%add3A_566, %broadcast_in_dim3A_39] : memref<800x16xi32, #tpu.memory_space<vmem>>[vector<16xi32>, vector<16xi32>], vector<16xi32>,
        %bitcast3A_570 = vector.bitcast %gather3A_569 : vector<16xi32> to vector<16xf32>
        %gather3A_571 = tpu.vector_load_idx %arg14[%add3A_566, %broadcast_in_dim3A_41] : memref<800x16xi32, #tpu.memory_space<vmem>>[vector<16xi32>, vector<16xi32>], vector<16xi32>,
        %bitcast3A_572 = vector.bitcast %gather3A_571 : vector<16xi32> to vector<16xf32>
        %gather3A_573 = tpu.vector_load_idx %arg14[%add3A_566, %broadcast_in_dim3A_43] : memref<800x16xi32, #tpu.memory_space<vmem>>[vector<16xi32>, vector<16xi32>], vector<16xi32>,
        %gather3A_574 = tpu.vector_load_idx %arg15[%add3A_566, %broadcast_in_dim3A_37] : memref<800x16xi32, #tpu.memory_space<vmem>>[vector<16xi32>, vector<16xi32>], vector<16xi32>,
        %bitcast3A_575 = vector.bitcast %gather3A_574 : vector<16xi32> to vector<16xf32>
        %gather3A_576 = tpu.vector_load_idx %arg15[%add3A_566, %broadcast_in_dim3A_39] : memref<800x16xi32, #tpu.memory_space<vmem>>[vector<16xi32>, vector<16xi32>], vector<16xi32>,
        %bitcast3A_577 = vector.bitcast %gather3A_576 : vector<16xi32> to vector<16xf32>
        %gather3A_578 = tpu.vector_load_idx %arg15[%add3A_566, %broadcast_in_dim3A_41] : memref<800x16xi32, #tpu.memory_space<vmem>>[vector<16xi32>, vector<16xi32>], vector<16xi32>,
        %bitcast3A_579 = vector.bitcast %gather3A_578 : vector<16xi32> to vector<16xf32>
        %gather3A_580 = tpu.vector_load_idx %arg15[%add3A_566, %broadcast_in_dim3A_43] : memref<800x16xi32, #tpu.memory_space<vmem>>[vector<16xi32>, vector<16xi32>], vector<16xi32>,
        %sub3A_581 = arith.subf %bitcast3A_575, %bitcast3A_568 : vector<16xf32>
        %sub3A_582 = arith.subf %bitcast3A_577, %bitcast3A_570 : vector<16xf32>
        %sub3A_583 = arith.subf %bitcast3A_579, %bitcast3A_572 : vector<16xf32>
        %mul3A_584 = arith.mulf %sub3A_581, %sub3A_581 : vector<16xf32>
        %mul3A_585 = arith.mulf %sub3A_582, %sub3A_582 : vector<16xf32>
        %add3A_586 = arith.addf %mul3A_584, %mul3A_585 : vector<16xf32>
        %mul3A_587 = arith.mulf %sub3A_583, %sub3A_583 : vector<16xf32>
        %add3A_588 = arith.addf %add3A_586, %mul3A_587 : vector<16xf32>
        %mul3A_589 = vector.broadcast %scan3A_137 : f32 to vector<16xf32>
        %mul3A_590 = arith.mulf %add3A_588, %mul3A_589 : vector<16xf32>
        %add3A_591 = arith.constant 9.99999997E-7 : f32
        %add3A_592 = vector.broadcast %add3A_591 : f32 to vector<16xf32>
        %add3A_593 = arith.addf %mul3A_590, %add3A_592 : vector<16xf32>
        %mul3A_594 = arith.mulf %add3A_593, %add3A_593 : vector<16xf32>
        %mul3A_595 = arith.mulf %mul3A_594, %add3A_593 : vector<16xf32>
        %div3A_596 = arith.constant 9.000000e+00 : f32
        %div3A_597 = vector.broadcast %div3A_596 : f32 to vector<16xf32>
        %div3A_598 = arith.divf %div3A_597, %add3A_593 : vector<16xf32>
        %mul3A_599 = arith.mulf %div3A_598, %div3A_598 : vector<16xf32>
        %mul3A_600 = arith.mulf %mul3A_599, %mul3A_599 : vector<16xf32>
        %mul3A_601 = arith.mulf %mul3A_600, %mul3A_599 : vector<16xf32>
        %mul3A_602 = arith.mulf %mul3A_601, %div3A_598 : vector<16xf32>
        %mul3A_603 = arith.constant 6.000000e+00 : f32
        %mul3A_604 = vector.broadcast %mul3A_603 : f32 to vector<16xf32>
        %mul3A_605 = arith.mulf %mul3A_604, %mul3A_602 : vector<16xf32>
        %add3A_606 = arith.constant 1.000000e+00 : f32
        %add3A_607 = vector.broadcast %add3A_606 : f32 to vector<16xf32>
        %add3A_608 = arith.addf %add3A_607, %mul3A_605 : vector<16xf32>
        %mul3A_609 = arith.mulf %mul3A_595, %add3A_608 : vector<16xf32>
        %gather3A_610 = tpu.vector_load_idx %arg19[%gather3A_573, %gather3A_580] : memref<95x95xf32, #tpu.memory_space<vmem>>[vector<16xi32>, vector<16xi32>], vector<16xf32>,
        %mul3A_611 = arith.constant -13.6056929 : f32
        %mul3A_612 = vector.broadcast %mul3A_611 : f32 to vector<16xf32>
        %mul3A_613 = arith.mulf %mul3A_612, %gather3A_610 : vector<16xf32>
        %div3A_614 = arith.divf %mul3A_613, %mul3A_609 : vector<16xf32>
        %mul3A_615 = arith.constant 16 : i32
        %mul3A_616 = arith.muli %add3A_562, %mul3A_615 : i32
        %get3A_617 = arith.index_cast %mul3A_616 : i32 to index
        %get3A_618 = tpu.vector_load %arg10[%get3A_617] {strides = array<i32>} : memref<800xi32, #tpu.memory_space<vmem>>, vector<16xi32>,
        tpu.vector_store_idx %arg18[%get3A_618, %iota3A], %div3A_614 {add = true} : memref<64x16xf32, #tpu.memory_space<vmem>>[vector<16xi32>, vector<16xi32>], vector<16xf32>,
      }
      %scan3A_470 = arith.constant 25 : i32
      %convert_element_type3A_471 = arith.extui %lt3A_427 : i1 to i32
      %cond3A_472 = arith.constant 0 : i32
      %cond3A_473 = arith.cmpi ne, %convert_element_type3A_471, %cond3A_472 : i32
      scf.if %cond3A_473 {
        %dma_wait3A_502 = arith.constant 0 : i32
        %dma_wait3A_503 = arith.constant 0 : i32
        %dma_wait3A_504 = tpu.memref_slice %arg3[%dma_wait3A_502, %dma_wait3A_503] : memref<80000x80xi32, #tpu.memory_space<hbm>> -> memref<10x80xi32, #tpu.memory_space<hbm>>
        %dma_wait3A_505 = arith.constant 0 : i32
        %dma_wait3A_506 = arith.constant 0 : i32
        %dma_wait3A_507 = tpu.memref_slice %arg3[%dma_wait3A_505, %dma_wait3A_506] : memref<80000x80xi32, #tpu.memory_space<hbm>> -> memref<10x80xi32, #tpu.memory_space<hbm>>
        tpu.wait_dma2 semaphore(%arg27 : memref<!tpu.dma_semaphore, #tpu.memory_space<semaphore_mem>>) src(%dma_wait3A_507 : memref<10x80xi32, #tpu.memory_space<hbm>>) dst(%arg8 : memref<10x80xi32, #tpu.memory_space<vmem>>)
        %dma_wait3A_508 = arith.constant 0 : i32
        %dma_wait3A_509 = arith.constant 0 : i32
        %dma_wait3A_510 = tpu.memref_slice %arg4[%dma_wait3A_508, %dma_wait3A_509] : memref<80000x80xi32, #tpu.memory_space<hbm>> -> memref<10x80xi32, #tpu.memory_space<hbm>>
        %dma_wait3A_511 = arith.constant 0 : i32
        %dma_wait3A_512 = arith.constant 0 : i32
        %dma_wait3A_513 = tpu.memref_slice %arg4[%dma_wait3A_511, %dma_wait3A_512] : memref<80000x80xi32, #tpu.memory_space<hbm>> -> memref<10x80xi32, #tpu.memory_space<hbm>>
        tpu.wait_dma2 semaphore(%arg27 : memref<!tpu.dma_semaphore, #tpu.memory_space<semaphore_mem>>) src(%dma_wait3A_513 : memref<10x80xi32, #tpu.memory_space<hbm>>) dst(%arg9 : memref<10x80xi32, #tpu.memory_space<vmem>>)
        %scan3A_514 = arith.constant 0 : i32
        %scan3A_515 = arith.constant 0 : i32
        %scan3A_516 = arith.constant 10 : i32
        %scan3A_517 = arith.addi %scan3A_515, %scan3A_516 : i32
        %scan3A_518 = arith.constant 1 : i32
        scf.for %scan3A_529 = %scan3A_515 to %scan3A_517 step %scan3A_518  : i32 {
          %mul3A_530 = arith.constant 80 : i32
          %mul3A_531 = arith.muli %scan3A_529, %mul3A_530 : i32
          %dma_start3A_532 = arith.constant 0 : i32
          %dma_start3A_533 = tpu.memref_slice %arg14[%mul3A_531, %dma_start3A_532] : memref<800x16xi32, #tpu.memory_space<vmem>> -> memref<80x16xi32, #tpu.memory_space<vmem>>
          %dma_start3A_534 = arith.constant 0 : i32
          %dma_start3A_535 = tpu.memref_slice %arg8[%scan3A_529, %dma_start3A_534] : memref<10x80xi32, #tpu.memory_space<vmem>> -> memref<1x80xi32, #tpu.memory_space<vmem>>
          %dma_start3A_536 = tpu.memref_squeeze %dma_start3A_535 : memref<1x80xi32, #tpu.memory_space<vmem>> -> memref<80xi32, #tpu.memory_space<vmem>>
          %dma_start3A_537 = arith.constant 0 : i32
          %dma_start3A_538 = arith.constant 0 : i32
          %dma_start3A_539 = tpu.memref_slice %arg2[%dma_start3A_537, %dma_start3A_538] : memref<100000x16xi32, #tpu.memory_space<hbm>> -> memref<100000x16xi32, #tpu.memory_space<hbm>>
          tpu.enqueue_indirect_dma source(%dma_start3A_539 : memref<100000x16xi32, #tpu.memory_space<hbm>>) target(%dma_start3A_533 : memref<80x16xi32, #tpu.memory_space<vmem>>) offsets(%dma_start3A_536 : memref<80xi32, #tpu.memory_space<vmem>>) semaphore(%arg23 : memref<!tpu.dma_semaphore, #tpu.memory_space<semaphore_mem>>)
          %dma_start3A_540 = arith.constant 0 : i32
          %dma_start3A_541 = tpu.memref_slice %arg15[%mul3A_531, %dma_start3A_540] : memref<800x16xi32, #tpu.memory_space<vmem>> -> memref<80x16xi32, #tpu.memory_space<vmem>>
          %dma_start3A_542 = arith.constant 0 : i32
          %dma_start3A_543 = tpu.memref_slice %arg9[%scan3A_529, %dma_start3A_542] : memref<10x80xi32, #tpu.memory_space<vmem>> -> memref<1x80xi32, #tpu.memory_space<vmem>>
          %dma_start3A_544 = tpu.memref_squeeze %dma_start3A_543 : memref<1x80xi32, #tpu.memory_space<vmem>> -> memref<80xi32, #tpu.memory_space<vmem>>
          %dma_start3A_545 = arith.constant 0 : i32
          %dma_start3A_546 = arith.constant 0 : i32
          %dma_start3A_547 = tpu.memref_slice %arg2[%dma_start3A_545, %dma_start3A_546] : memref<100000x16xi32, #tpu.memory_space<hbm>> -> memref<100000x16xi32, #tpu.memory_space<hbm>>
          tpu.enqueue_indirect_dma source(%dma_start3A_547 : memref<100000x16xi32, #tpu.memory_space<hbm>>) target(%dma_start3A_541 : memref<80x16xi32, #tpu.memory_space<vmem>>) offsets(%dma_start3A_544 : memref<80xi32, #tpu.memory_space<vmem>>) semaphore(%arg24 : memref<!tpu.dma_semaphore, #tpu.memory_space<semaphore_mem>>)
        }
        %scan3A_519 = arith.constant 10 : i32
        %add3A_520 = arith.constant 2 : i32
        %add3A_521 = arith.addi %mul3A_426, %add3A_520 : i32
        %mul3A_522 = arith.constant 200000 : i32
        %mul3A_523 = arith.muli %add3A, %mul3A_522 : i32
        %mul3A_524 = arith.constant 800 : i32
        %mul3A_525 = arith.muli %add3A_521, %mul3A_524 : i32
        %add3A_526 = arith.addi %mul3A_523, %mul3A_525 : i32
        %dma_start3A_527 = tpu.memref_slice %arg5[%add3A_526] : memref<6400000xi32, #tpu.memory_space<hbm>> -> memref<800xi32, #tpu.memory_space<hbm>>
        %dma_start3A_528 = tpu.memref_slice %arg5[%add3A_526] : memref<6400000xi32, #tpu.memory_space<hbm>> -> memref<800xi32, #tpu.memory_space<hbm>>
        tpu.enqueue_dma source(%dma_start3A_528 : memref<800xi32, #tpu.memory_space<hbm>>) target(%arg10 : memref<800xi32, #tpu.memory_space<vmem>>) target_semaphore(%arg29 : memref<!tpu.dma_semaphore, #tpu.memory_space<semaphore_mem>>)
      } else {
      }
      %dma_wait3A_474 = arith.constant 0 : i32
      %dma_wait3A_475 = arith.constant 0 : i32
      %dma_wait3A_476 = tpu.memref_slice %arg2[%dma_wait3A_474, %dma_wait3A_475] : memref<100000x16xi32, #tpu.memory_space<hbm>> -> memref<800x16xi32, #tpu.memory_space<hbm>>
      %dma_wait3A_477 = arith.constant 0 : i32
      %dma_wait3A_478 = arith.constant 0 : i32
      %dma_wait3A_479 = tpu.memref_slice %arg2[%dma_wait3A_477, %dma_wait3A_478] : memref<100000x16xi32, #tpu.memory_space<hbm>> -> memref<800x16xi32, #tpu.memory_space<hbm>>
      tpu.wait_dma2 semaphore(%arg25 : memref<!tpu.dma_semaphore, #tpu.memory_space<semaphore_mem>>) src(%dma_wait3A_479 : memref<800x16xi32, #tpu.memory_space<hbm>>) dst(%arg16 : memref<800x16xi32, #tpu.memory_space<vmem>>)
      %dma_wait3A_480 = arith.constant 0 : i32
      %dma_wait3A_481 = arith.constant 0 : i32
      %dma_wait3A_482 = tpu.memref_slice %arg2[%dma_wait3A_480, %dma_wait3A_481] : memref<100000x16xi32, #tpu.memory_space<hbm>> -> memref<800x16xi32, #tpu.memory_space<hbm>>
      %dma_wait3A_483 = arith.constant 0 : i32
      %dma_wait3A_484 = arith.constant 0 : i32
      %dma_wait3A_485 = tpu.memref_slice %arg2[%dma_wait3A_483, %dma_wait3A_484] : memref<100000x16xi32, #tpu.memory_space<hbm>> -> memref<800x16xi32, #tpu.memory_space<hbm>>
      tpu.wait_dma2 semaphore(%arg26 : memref<!tpu.dma_semaphore, #tpu.memory_space<semaphore_mem>>) src(%dma_wait3A_485 : memref<800x16xi32, #tpu.memory_space<hbm>>) dst(%arg17 : memref<800x16xi32, #tpu.memory_space<vmem>>)
      %convert_element_type3A_486 = arith.extui %lt3A_427 : i1 to i32
      %cond3A_487 = arith.constant 0 : i32
      %cond3A_488 = arith.cmpi ne, %convert_element_type3A_486, %cond3A_487 : i32
      scf.if %cond3A_488 {
        %add3A_502 = arith.constant 3 : i32
        %add3A_503 = arith.addi %mul3A_426, %add3A_502 : i32
        %mul3A_504 = arith.constant 200000 : i32
        %mul3A_505 = arith.muli %add3A, %mul3A_504 : i32
        %mul3A_506 = arith.constant 800 : i32
        %mul3A_507 = arith.muli %add3A_503, %mul3A_506 : i32
        %add3A_508 = arith.addi %mul3A_505, %mul3A_507 : i32
        %jit3A_509 = arith.constant 80 : i32
        %div3A_510 = arith.divsi %add3A_508, %jit3A_509 : i32
        %sign3A_511 = arith.constant 0 : i32
        %sign3A_512 = arith.cmpi sgt, %add3A_508, %sign3A_511 : i32
        %sign3A_513 = arith.extui %sign3A_512 : i1 to i32
        %sign3A_514 = arith.constant 0 : i32
        %sign3A_515 = arith.cmpi slt, %add3A_508, %sign3A_514 : i32
        %sign3A_516 = arith.extui %sign3A_515 : i1 to i32
        %sign3A_517 = arith.subi %sign3A_513, %sign3A_516 : i32
        %sign3A_518 = arith.constant 0 : i32
        %sign3A_519 = arith.cmpi sgt, %jit3A_509, %sign3A_518 : i32
        %sign3A_520 = arith.extui %sign3A_519 : i1 to i32
        %sign3A_521 = arith.constant 0 : i32
        %sign3A_522 = arith.cmpi slt, %jit3A_509, %sign3A_521 : i32
        %sign3A_523 = arith.extui %sign3A_522 : i1 to i32
        %sign3A_524 = arith.subi %sign3A_520, %sign3A_523 : i32
        %ne3A_525 = arith.cmpi ne, %sign3A_517, %sign3A_524 : i32
        %rem3A_526 = arith.remsi %add3A_508, %jit3A_509 : i32
        %ne3A_527 = arith.constant 0 : i32
        %ne3A_528 = arith.cmpi ne, %rem3A_526, %ne3A_527 : i32
        %and3A_529 = arith.andi %ne3A_525, %ne3A_528 : i1
        %sub3A_530 = arith.constant 1 : i32
        %sub3A_531 = arith.subi %div3A_510, %sub3A_530 : i32
        %select_n3A_532 = arith.select %and3A_529, %sub3A_531, %div3A_510 : i32
        %dma_start3A_533 = arith.constant 0 : i32
        %dma_start3A_534 = tpu.memref_slice %arg3[%select_n3A_532, %dma_start3A_533] : memref<80000x80xi32, #tpu.memory_space<hbm>> -> memref<10x80xi32, #tpu.memory_space<hbm>>
        %dma_start3A_535 = arith.constant 0 : i32
        %dma_start3A_536 = tpu.memref_slice %arg3[%select_n3A_532, %dma_start3A_535] : memref<80000x80xi32, #tpu.memory_space<hbm>> -> memref<10x80xi32, #tpu.memory_space<hbm>>
        tpu.enqueue_dma source(%dma_start3A_536 : memref<10x80xi32, #tpu.memory_space<hbm>>) target(%arg11 : memref<10x80xi32, #tpu.memory_space<vmem>>) target_semaphore(%arg28 : memref<!tpu.dma_semaphore, #tpu.memory_space<semaphore_mem>>)
        %dma_start3A_537 = arith.constant 0 : i32
        %dma_start3A_538 = tpu.memref_slice %arg4[%select_n3A_532, %dma_start3A_537] : memref<80000x80xi32, #tpu.memory_space<hbm>> -> memref<10x80xi32, #tpu.memory_space<hbm>>
        %dma_start3A_539 = arith.constant 0 : i32
        %dma_start3A_540 = tpu.memref_slice %arg4[%select_n3A_532, %dma_start3A_539] : memref<80000x80xi32, #tpu.memory_space<hbm>> -> memref<10x80xi32, #tpu.memory_space<hbm>>
        tpu.enqueue_dma source(%dma_start3A_540 : memref<10x80xi32, #tpu.memory_space<hbm>>) target(%arg12 : memref<10x80xi32, #tpu.memory_space<vmem>>) target_semaphore(%arg28 : memref<!tpu.dma_semaphore, #tpu.memory_space<semaphore_mem>>)
      } else {
      }
      %dma_wait3A_489 = arith.constant 0 : i32
      %dma_wait3A_490 = tpu.memref_slice %arg5[%dma_wait3A_489] : memref<6400000xi32, #tpu.memory_space<hbm>> -> memref<800xi32, #tpu.memory_space<hbm>>
      %dma_wait3A_491 = arith.constant 0 : i32
      %dma_wait3A_492 = tpu.memref_slice %arg5[%dma_wait3A_491] : memref<6400000xi32, #tpu.memory_space<hbm>> -> memref<800xi32, #tpu.memory_space<hbm>>
      tpu.wait_dma2 semaphore(%arg30 : memref<!tpu.dma_semaphore, #tpu.memory_space<semaphore_mem>>) src(%dma_wait3A_492 : memref<800xi32, #tpu.memory_space<hbm>>) dst(%arg13 : memref<800xi32, #tpu.memory_space<vmem>>)
      %scan3A_493 = arith.constant 0 : i32
      %scan3A_494 = arith.constant 0 : i32
      %scan3A_495 = arith.constant 25 : i32
      %scan3A_496 = arith.addi %scan3A_494, %scan3A_495 : i32
      %scan3A_497 = arith.constant 1 : i32
      scf.for %scan3A_502 = %scan3A_494 to %scan3A_496 step %scan3A_497  : i32 {
        %mul3A_503 = arith.constant 2 : i32
        %mul3A_504 = arith.muli %mul3A_503, %scan3A_502 : i32
        %mul3A_505 = arith.constant 16 : i32
        %mul3A_506 = arith.muli %mul3A_504, %mul3A_505 : i32
        %add3A_507 = vector.broadcast %mul3A_506 : i32 to vector<16xi32>
        %add3A_508 = arith.addi %iota3A, %add3A_507 : vector<16xi32>
        %gather3A_509 = tpu.vector_load_idx %arg16[%add3A_508, %broadcast_in_dim3A_37] : memref<800x16xi32, #tpu.memory_space<vmem>>[vector<16xi32>, vector<16xi32>], vector<16xi32>,
        %bitcast3A = vector.bitcast %gather3A_509 : vector<16xi32> to vector<16xf32>
        %gather3A_510 = tpu.vector_load_idx %arg16[%add3A_508, %broadcast_in_dim3A_39] : memref<800x16xi32, #tpu.memory_space<vmem>>[vector<16xi32>, vector<16xi32>], vector<16xi32>,
        %bitcast3A_511 = vector.bitcast %gather3A_510 : vector<16xi32> to vector<16xf32>
        %gather3A_512 = tpu.vector_load_idx %arg16[%add3A_508, %broadcast_in_dim3A_41] : memref<800x16xi32, #tpu.memory_space<vmem>>[vector<16xi32>, vector<16xi32>], vector<16xi32>,
        %bitcast3A_513 = vector.bitcast %gather3A_512 : vector<16xi32> to vector<16xf32>
        %gather3A_514 = tpu.vector_load_idx %arg16[%add3A_508, %broadcast_in_dim3A_43] : memref<800x16xi32, #tpu.memory_space<vmem>>[vector<16xi32>, vector<16xi32>], vector<16xi32>,
        %gather3A_515 = tpu.vector_load_idx %arg17[%add3A_508, %broadcast_in_dim3A_37] : memref<800x16xi32, #tpu.memory_space<vmem>>[vector<16xi32>, vector<16xi32>], vector<16xi32>,
        %bitcast3A_516 = vector.bitcast %gather3A_515 : vector<16xi32> to vector<16xf32>
        %gather3A_517 = tpu.vector_load_idx %arg17[%add3A_508, %broadcast_in_dim3A_39] : memref<800x16xi32, #tpu.memory_space<vmem>>[vector<16xi32>, vector<16xi32>], vector<16xi32>,
        %bitcast3A_518 = vector.bitcast %gather3A_517 : vector<16xi32> to vector<16xf32>
        %gather3A_519 = tpu.vector_load_idx %arg17[%add3A_508, %broadcast_in_dim3A_41] : memref<800x16xi32, #tpu.memory_space<vmem>>[vector<16xi32>, vector<16xi32>], vector<16xi32>,
        %bitcast3A_520 = vector.bitcast %gather3A_519 : vector<16xi32> to vector<16xf32>
        %gather3A_521 = tpu.vector_load_idx %arg17[%add3A_508, %broadcast_in_dim3A_43] : memref<800x16xi32, #tpu.memory_space<vmem>>[vector<16xi32>, vector<16xi32>], vector<16xi32>,
        %sub3A_522 = arith.subf %bitcast3A_516, %bitcast3A : vector<16xf32>
        %sub3A_523 = arith.subf %bitcast3A_518, %bitcast3A_511 : vector<16xf32>
        %sub3A_524 = arith.subf %bitcast3A_520, %bitcast3A_513 : vector<16xf32>
        %mul3A_525 = arith.mulf %sub3A_522, %sub3A_522 : vector<16xf32>
        %mul3A_526 = arith.mulf %sub3A_523, %sub3A_523 : vector<16xf32>
        %add3A_527 = arith.addf %mul3A_525, %mul3A_526 : vector<16xf32>
        %mul3A_528 = arith.mulf %sub3A_524, %sub3A_524 : vector<16xf32>
        %add3A_529 = arith.addf %add3A_527, %mul3A_528 : vector<16xf32>
        %mul3A_530 = vector.broadcast %scan3A_137 : f32 to vector<16xf32>
        %mul3A_531 = arith.mulf %add3A_529, %mul3A_530 : vector<16xf32>
        %add3A_532 = arith.constant 9.99999997E-7 : f32
        %add3A_533 = vector.broadcast %add3A_532 : f32 to vector<16xf32>
        %add3A_534 = arith.addf %mul3A_531, %add3A_533 : vector<16xf32>
        %mul3A_535 = arith.mulf %add3A_534, %add3A_534 : vector<16xf32>
        %mul3A_536 = arith.mulf %mul3A_535, %add3A_534 : vector<16xf32>
        %div3A_537 = arith.constant 9.000000e+00 : f32
        %div3A_538 = vector.broadcast %div3A_537 : f32 to vector<16xf32>
        %div3A_539 = arith.divf %div3A_538, %add3A_534 : vector<16xf32>
        %mul3A_540 = arith.mulf %div3A_539, %div3A_539 : vector<16xf32>
        %mul3A_541 = arith.mulf %mul3A_540, %mul3A_540 : vector<16xf32>
        %mul3A_542 = arith.mulf %mul3A_541, %mul3A_540 : vector<16xf32>
        %mul3A_543 = arith.mulf %mul3A_542, %div3A_539 : vector<16xf32>
        %mul3A_544 = arith.constant 6.000000e+00 : f32
        %mul3A_545 = vector.broadcast %mul3A_544 : f32 to vector<16xf32>
        %mul3A_546 = arith.mulf %mul3A_545, %mul3A_543 : vector<16xf32>
        %add3A_547 = arith.constant 1.000000e+00 : f32
        %add3A_548 = vector.broadcast %add3A_547 : f32 to vector<16xf32>
        %add3A_549 = arith.addf %add3A_548, %mul3A_546 : vector<16xf32>
        %mul3A_550 = arith.mulf %mul3A_536, %add3A_549 : vector<16xf32>
        %gather3A_551 = tpu.vector_load_idx %arg19[%gather3A_514, %gather3A_521] : memref<95x95xf32, #tpu.memory_space<vmem>>[vector<16xi32>, vector<16xi32>], vector<16xf32>,
        %mul3A_552 = arith.constant -13.6056929 : f32
        %mul3A_553 = vector.broadcast %mul3A_552 : f32 to vector<16xf32>
        %mul3A_554 = arith.mulf %mul3A_553, %gather3A_551 : vector<16xf32>
        %div3A_555 = arith.divf %mul3A_554, %mul3A_550 : vector<16xf32>
        %mul3A_556 = arith.constant 16 : i32
        %mul3A_557 = arith.muli %mul3A_504, %mul3A_556 : i32
        %get3A = arith.index_cast %mul3A_557 : i32 to index
        %get3A_558 = tpu.vector_load %arg13[%get3A] {strides = array<i32>} : memref<800xi32, #tpu.memory_space<vmem>>, vector<16xi32>,
        tpu.vector_store_idx %arg18[%get3A_558, %iota3A], %div3A_555 {add = true} : memref<64x16xf32, #tpu.memory_space<vmem>>[vector<16xi32>, vector<16xi32>], vector<16xf32>,
        %mul3A_559 = arith.constant 2 : i32
        %mul3A_560 = arith.muli %mul3A_559, %scan3A_502 : i32
        %add3A_561 = arith.constant 1 : i32
        %add3A_562 = arith.addi %mul3A_560, %add3A_561 : i32
        %mul3A_563 = arith.constant 16 : i32
        %mul3A_564 = arith.muli %add3A_562, %mul3A_563 : i32
        %add3A_565 = vector.broadcast %mul3A_564 : i32 to vector<16xi32>
        %add3A_566 = arith.addi %iota3A, %add3A_565 : vector<16xi32>
        %gather3A_567 = tpu.vector_load_idx %arg16[%add3A_566, %broadcast_in_dim3A_37] : memref<800x16xi32, #tpu.memory_space<vmem>>[vector<16xi32>, vector<16xi32>], vector<16xi32>,
        %bitcast3A_568 = vector.bitcast %gather3A_567 : vector<16xi32> to vector<16xf32>
        %gather3A_569 = tpu.vector_load_idx %arg16[%add3A_566, %broadcast_in_dim3A_39] : memref<800x16xi32, #tpu.memory_space<vmem>>[vector<16xi32>, vector<16xi32>], vector<16xi32>,
        %bitcast3A_570 = vector.bitcast %gather3A_569 : vector<16xi32> to vector<16xf32>
        %gather3A_571 = tpu.vector_load_idx %arg16[%add3A_566, %broadcast_in_dim3A_41] : memref<800x16xi32, #tpu.memory_space<vmem>>[vector<16xi32>, vector<16xi32>], vector<16xi32>,
        %bitcast3A_572 = vector.bitcast %gather3A_571 : vector<16xi32> to vector<16xf32>
        %gather3A_573 = tpu.vector_load_idx %arg16[%add3A_566, %broadcast_in_dim3A_43] : memref<800x16xi32, #tpu.memory_space<vmem>>[vector<16xi32>, vector<16xi32>], vector<16xi32>,
        %gather3A_574 = tpu.vector_load_idx %arg17[%add3A_566, %broadcast_in_dim3A_37] : memref<800x16xi32, #tpu.memory_space<vmem>>[vector<16xi32>, vector<16xi32>], vector<16xi32>,
        %bitcast3A_575 = vector.bitcast %gather3A_574 : vector<16xi32> to vector<16xf32>
        %gather3A_576 = tpu.vector_load_idx %arg17[%add3A_566, %broadcast_in_dim3A_39] : memref<800x16xi32, #tpu.memory_space<vmem>>[vector<16xi32>, vector<16xi32>], vector<16xi32>,
        %bitcast3A_577 = vector.bitcast %gather3A_576 : vector<16xi32> to vector<16xf32>
        %gather3A_578 = tpu.vector_load_idx %arg17[%add3A_566, %broadcast_in_dim3A_41] : memref<800x16xi32, #tpu.memory_space<vmem>>[vector<16xi32>, vector<16xi32>], vector<16xi32>,
        %bitcast3A_579 = vector.bitcast %gather3A_578 : vector<16xi32> to vector<16xf32>
        %gather3A_580 = tpu.vector_load_idx %arg17[%add3A_566, %broadcast_in_dim3A_43] : memref<800x16xi32, #tpu.memory_space<vmem>>[vector<16xi32>, vector<16xi32>], vector<16xi32>,
        %sub3A_581 = arith.subf %bitcast3A_575, %bitcast3A_568 : vector<16xf32>
        %sub3A_582 = arith.subf %bitcast3A_577, %bitcast3A_570 : vector<16xf32>
        %sub3A_583 = arith.subf %bitcast3A_579, %bitcast3A_572 : vector<16xf32>
        %mul3A_584 = arith.mulf %sub3A_581, %sub3A_581 : vector<16xf32>
        %mul3A_585 = arith.mulf %sub3A_582, %sub3A_582 : vector<16xf32>
        %add3A_586 = arith.addf %mul3A_584, %mul3A_585 : vector<16xf32>
        %mul3A_587 = arith.mulf %sub3A_583, %sub3A_583 : vector<16xf32>
        %add3A_588 = arith.addf %add3A_586, %mul3A_587 : vector<16xf32>
        %mul3A_589 = vector.broadcast %scan3A_137 : f32 to vector<16xf32>
        %mul3A_590 = arith.mulf %add3A_588, %mul3A_589 : vector<16xf32>
        %add3A_591 = arith.constant 9.99999997E-7 : f32
        %add3A_592 = vector.broadcast %add3A_591 : f32 to vector<16xf32>
        %add3A_593 = arith.addf %mul3A_590, %add3A_592 : vector<16xf32>
        %mul3A_594 = arith.mulf %add3A_593, %add3A_593 : vector<16xf32>
        %mul3A_595 = arith.mulf %mul3A_594, %add3A_593 : vector<16xf32>
        %div3A_596 = arith.constant 9.000000e+00 : f32
        %div3A_597 = vector.broadcast %div3A_596 : f32 to vector<16xf32>
        %div3A_598 = arith.divf %div3A_597, %add3A_593 : vector<16xf32>
        %mul3A_599 = arith.mulf %div3A_598, %div3A_598 : vector<16xf32>
        %mul3A_600 = arith.mulf %mul3A_599, %mul3A_599 : vector<16xf32>
        %mul3A_601 = arith.mulf %mul3A_600, %mul3A_599 : vector<16xf32>
        %mul3A_602 = arith.mulf %mul3A_601, %div3A_598 : vector<16xf32>
        %mul3A_603 = arith.constant 6.000000e+00 : f32
        %mul3A_604 = vector.broadcast %mul3A_603 : f32 to vector<16xf32>
        %mul3A_605 = arith.mulf %mul3A_604, %mul3A_602 : vector<16xf32>
        %add3A_606 = arith.constant 1.000000e+00 : f32
        %add3A_607 = vector.broadcast %add3A_606 : f32 to vector<16xf32>
        %add3A_608 = arith.addf %add3A_607, %mul3A_605 : vector<16xf32>
        %mul3A_609 = arith.mulf %mul3A_595, %add3A_608 : vector<16xf32>
        %gather3A_610 = tpu.vector_load_idx %arg19[%gather3A_573, %gather3A_580] : memref<95x95xf32, #tpu.memory_space<vmem>>[vector<16xi32>, vector<16xi32>], vector<16xf32>,
        %mul3A_611 = arith.constant -13.6056929 : f32
        %mul3A_612 = vector.broadcast %mul3A_611 : f32 to vector<16xf32>
        %mul3A_613 = arith.mulf %mul3A_612, %gather3A_610 : vector<16xf32>
        %div3A_614 = arith.divf %mul3A_613, %mul3A_609 : vector<16xf32>
        %mul3A_615 = arith.constant 16 : i32
        %mul3A_616 = arith.muli %add3A_562, %mul3A_615 : i32
        %get3A_617 = arith.index_cast %mul3A_616 : i32 to index
        %get3A_618 = tpu.vector_load %arg13[%get3A_617] {strides = array<i32>} : memref<800xi32, #tpu.memory_space<vmem>>, vector<16xi32>,
        tpu.vector_store_idx %arg18[%get3A_618, %iota3A], %div3A_614 {add = true} : memref<64x16xf32, #tpu.memory_space<vmem>>[vector<16xi32>, vector<16xi32>], vector<16xf32>,
      }
      %scan3A_498 = arith.constant 25 : i32
      %convert_element_type3A_499 = arith.extui %lt3A_427 : i1 to i32
      %cond3A_500 = arith.constant 0 : i32
      %cond3A_501 = arith.cmpi ne, %convert_element_type3A_499, %cond3A_500 : i32
      scf.if %cond3A_501 {
        %add3A_502 = arith.constant 3 : i32
        %add3A_503 = arith.addi %mul3A_426, %add3A_502 : i32
        %mul3A_504 = arith.constant 200000 : i32
        %mul3A_505 = arith.muli %add3A, %mul3A_504 : i32
        %mul3A_506 = arith.constant 800 : i32
        %mul3A_507 = arith.muli %add3A_503, %mul3A_506 : i32
        %add3A_508 = arith.addi %mul3A_505, %mul3A_507 : i32
        %dma_start3A_509 = tpu.memref_slice %arg5[%add3A_508] : memref<6400000xi32, #tpu.memory_space<hbm>> -> memref<800xi32, #tpu.memory_space<hbm>>
        %dma_start3A_510 = tpu.memref_slice %arg5[%add3A_508] : memref<6400000xi32, #tpu.memory_space<hbm>> -> memref<800xi32, #tpu.memory_space<hbm>>
        tpu.enqueue_dma source(%dma_start3A_510 : memref<800xi32, #tpu.memory_space<hbm>>) target(%arg13 : memref<800xi32, #tpu.memory_space<vmem>>) target_semaphore(%arg30 : memref<!tpu.dma_semaphore, #tpu.memory_space<semaphore_mem>>)
      } else {
      }
    }
    %scan3A_142 = arith.constant 125 : i32
    %add3A_143 = arith.constant 0 : i32
    %add3A_144 = vector.broadcast %add3A_143 : i32 to vector<16xi32>
    %add3A_145 = arith.addi %iota3A, %add3A_144 : vector<16xi32>
    %broadcast_in_dim3A_146 = arith.constant 0 : i32
    %broadcast_in_dim3A_147 = vector.broadcast %broadcast_in_dim3A_146 : i32 to vector<16xi32>
    %gather3A = tpu.vector_load_idx %arg18[%add3A_145, %broadcast_in_dim3A_147] : memref<64x16xf32, #tpu.memory_space<vmem>>[vector<16xi32>, vector<16xi32>], vector<16xf32>,
    %add3A_148 = arith.addf %broadcast_in_dim3A_1, %gather3A : vector<16xf32>
    %broadcast_in_dim3A_149 = arith.constant 1 : i32
    %broadcast_in_dim3A_150 = vector.broadcast %broadcast_in_dim3A_149 : i32 to vector<16xi32>
    %gather3A_151 = tpu.vector_load_idx %arg18[%add3A_145, %broadcast_in_dim3A_150] : memref<64x16xf32, #tpu.memory_space<vmem>>[vector<16xi32>, vector<16xi32>], vector<16xf32>,
    %add3A_152 = arith.addf %add3A_148, %gather3A_151 : vector<16xf32>
    %broadcast_in_dim3A_153 = arith.constant 2 : i32
    %broadcast_in_dim3A_154 = vector.broadcast %broadcast_in_dim3A_153 : i32 to vector<16xi32>
    %gather3A_155 = tpu.vector_load_idx %arg18[%add3A_145, %broadcast_in_dim3A_154] : memref<64x16xf32, #tpu.memory_space<vmem>>[vector<16xi32>, vector<16xi32>], vector<16xf32>,
    %add3A_156 = arith.addf %add3A_152, %gather3A_155 : vector<16xf32>
    %broadcast_in_dim3A_157 = arith.constant 3 : i32
    %broadcast_in_dim3A_158 = vector.broadcast %broadcast_in_dim3A_157 : i32 to vector<16xi32>
    %gather3A_159 = tpu.vector_load_idx %arg18[%add3A_145, %broadcast_in_dim3A_158] : memref<64x16xf32, #tpu.memory_space<vmem>>[vector<16xi32>, vector<16xi32>], vector<16xf32>,
    %add3A_160 = arith.addf %add3A_156, %gather3A_159 : vector<16xf32>
    %broadcast_in_dim3A_161 = arith.constant 4 : i32
    %broadcast_in_dim3A_162 = vector.broadcast %broadcast_in_dim3A_161 : i32 to vector<16xi32>
    %gather3A_163 = tpu.vector_load_idx %arg18[%add3A_145, %broadcast_in_dim3A_162] : memref<64x16xf32, #tpu.memory_space<vmem>>[vector<16xi32>, vector<16xi32>], vector<16xf32>,
    %add3A_164 = arith.addf %add3A_160, %gather3A_163 : vector<16xf32>
    %broadcast_in_dim3A_165 = arith.constant 5 : i32
    %broadcast_in_dim3A_166 = vector.broadcast %broadcast_in_dim3A_165 : i32 to vector<16xi32>
    %gather3A_167 = tpu.vector_load_idx %arg18[%add3A_145, %broadcast_in_dim3A_166] : memref<64x16xf32, #tpu.memory_space<vmem>>[vector<16xi32>, vector<16xi32>], vector<16xf32>,
    %add3A_168 = arith.addf %add3A_164, %gather3A_167 : vector<16xf32>
    %broadcast_in_dim3A_169 = arith.constant 6 : i32
    %broadcast_in_dim3A_170 = vector.broadcast %broadcast_in_dim3A_169 : i32 to vector<16xi32>
    %gather3A_171 = tpu.vector_load_idx %arg18[%add3A_145, %broadcast_in_dim3A_170] : memref<64x16xf32, #tpu.memory_space<vmem>>[vector<16xi32>, vector<16xi32>], vector<16xf32>,
    %add3A_172 = arith.addf %add3A_168, %gather3A_171 : vector<16xf32>
    %broadcast_in_dim3A_173 = arith.constant 7 : i32
    %broadcast_in_dim3A_174 = vector.broadcast %broadcast_in_dim3A_173 : i32 to vector<16xi32>
    %gather3A_175 = tpu.vector_load_idx %arg18[%add3A_145, %broadcast_in_dim3A_174] : memref<64x16xf32, #tpu.memory_space<vmem>>[vector<16xi32>, vector<16xi32>], vector<16xf32>,
    %add3A_176 = arith.addf %add3A_172, %gather3A_175 : vector<16xf32>
    %broadcast_in_dim3A_177 = arith.constant 8 : i32
    %broadcast_in_dim3A_178 = vector.broadcast %broadcast_in_dim3A_177 : i32 to vector<16xi32>
    %gather3A_179 = tpu.vector_load_idx %arg18[%add3A_145, %broadcast_in_dim3A_178] : memref<64x16xf32, #tpu.memory_space<vmem>>[vector<16xi32>, vector<16xi32>], vector<16xf32>,
    %add3A_180 = arith.addf %add3A_176, %gather3A_179 : vector<16xf32>
    %broadcast_in_dim3A_181 = arith.constant 9 : i32
    %broadcast_in_dim3A_182 = vector.broadcast %broadcast_in_dim3A_181 : i32 to vector<16xi32>
    %gather3A_183 = tpu.vector_load_idx %arg18[%add3A_145, %broadcast_in_dim3A_182] : memref<64x16xf32, #tpu.memory_space<vmem>>[vector<16xi32>, vector<16xi32>], vector<16xf32>,
    %add3A_184 = arith.addf %add3A_180, %gather3A_183 : vector<16xf32>
    %broadcast_in_dim3A_185 = arith.constant 10 : i32
    %broadcast_in_dim3A_186 = vector.broadcast %broadcast_in_dim3A_185 : i32 to vector<16xi32>
    %gather3A_187 = tpu.vector_load_idx %arg18[%add3A_145, %broadcast_in_dim3A_186] : memref<64x16xf32, #tpu.memory_space<vmem>>[vector<16xi32>, vector<16xi32>], vector<16xf32>,
    %add3A_188 = arith.addf %add3A_184, %gather3A_187 : vector<16xf32>
    %broadcast_in_dim3A_189 = arith.constant 11 : i32
    %broadcast_in_dim3A_190 = vector.broadcast %broadcast_in_dim3A_189 : i32 to vector<16xi32>
    %gather3A_191 = tpu.vector_load_idx %arg18[%add3A_145, %broadcast_in_dim3A_190] : memref<64x16xf32, #tpu.memory_space<vmem>>[vector<16xi32>, vector<16xi32>], vector<16xf32>,
    %add3A_192 = arith.addf %add3A_188, %gather3A_191 : vector<16xf32>
    %broadcast_in_dim3A_193 = arith.constant 12 : i32
    %broadcast_in_dim3A_194 = vector.broadcast %broadcast_in_dim3A_193 : i32 to vector<16xi32>
    %gather3A_195 = tpu.vector_load_idx %arg18[%add3A_145, %broadcast_in_dim3A_194] : memref<64x16xf32, #tpu.memory_space<vmem>>[vector<16xi32>, vector<16xi32>], vector<16xf32>,
    %add3A_196 = arith.addf %add3A_192, %gather3A_195 : vector<16xf32>
    %broadcast_in_dim3A_197 = arith.constant 13 : i32
    %broadcast_in_dim3A_198 = vector.broadcast %broadcast_in_dim3A_197 : i32 to vector<16xi32>
    %gather3A_199 = tpu.vector_load_idx %arg18[%add3A_145, %broadcast_in_dim3A_198] : memref<64x16xf32, #tpu.memory_space<vmem>>[vector<16xi32>, vector<16xi32>], vector<16xf32>,
    %add3A_200 = arith.addf %add3A_196, %gather3A_199 : vector<16xf32>
    %broadcast_in_dim3A_201 = arith.constant 14 : i32
    %broadcast_in_dim3A_202 = vector.broadcast %broadcast_in_dim3A_201 : i32 to vector<16xi32>
    %gather3A_203 = tpu.vector_load_idx %arg18[%add3A_145, %broadcast_in_dim3A_202] : memref<64x16xf32, #tpu.memory_space<vmem>>[vector<16xi32>, vector<16xi32>], vector<16xf32>,
    %add3A_204 = arith.addf %add3A_200, %gather3A_203 : vector<16xf32>
    %broadcast_in_dim3A_205 = arith.constant 15 : i32
    %broadcast_in_dim3A_206 = vector.broadcast %broadcast_in_dim3A_205 : i32 to vector<16xi32>
    %gather3A_207 = tpu.vector_load_idx %arg18[%add3A_145, %broadcast_in_dim3A_206] : memref<64x16xf32, #tpu.memory_space<vmem>>[vector<16xi32>, vector<16xi32>], vector<16xf32>,
    %add3A_208 = arith.addf %add3A_204, %gather3A_207 : vector<16xf32>
    %swap3A_209 = arith.constant 0 : index
    %swap3A_210 = tpu.vector_load %arg20[%swap3A_209] {strides = array<i32>} : memref<64xf32, #tpu.memory_space<vmem>>, vector<16xf32>,
    tpu.vector_store %arg20[%swap3A_209], %add3A_208 {strides = array<i32>} : memref<64xf32, #tpu.memory_space<vmem>>, vector<16xf32>,
    %add3A_211 = arith.constant 16 : i32
    %add3A_212 = vector.broadcast %add3A_211 : i32 to vector<16xi32>
    %add3A_213 = arith.addi %iota3A, %add3A_212 : vector<16xi32>
    %broadcast_in_dim3A_214 = arith.constant 0 : i32
    %broadcast_in_dim3A_215 = vector.broadcast %broadcast_in_dim3A_214 : i32 to vector<16xi32>
    %gather3A_216 = tpu.vector_load_idx %arg18[%add3A_213, %broadcast_in_dim3A_215] : memref<64x16xf32, #tpu.memory_space<vmem>>[vector<16xi32>, vector<16xi32>], vector<16xf32>,
    %add3A_217 = arith.addf %broadcast_in_dim3A_1, %gather3A_216 : vector<16xf32>
    %broadcast_in_dim3A_218 = arith.constant 1 : i32
    %broadcast_in_dim3A_219 = vector.broadcast %broadcast_in_dim3A_218 : i32 to vector<16xi32>
    %gather3A_220 = tpu.vector_load_idx %arg18[%add3A_213, %broadcast_in_dim3A_219] : memref<64x16xf32, #tpu.memory_space<vmem>>[vector<16xi32>, vector<16xi32>], vector<16xf32>,
    %add3A_221 = arith.addf %add3A_217, %gather3A_220 : vector<16xf32>
    %broadcast_in_dim3A_222 = arith.constant 2 : i32
    %broadcast_in_dim3A_223 = vector.broadcast %broadcast_in_dim3A_222 : i32 to vector<16xi32>
    %gather3A_224 = tpu.vector_load_idx %arg18[%add3A_213, %broadcast_in_dim3A_223] : memref<64x16xf32, #tpu.memory_space<vmem>>[vector<16xi32>, vector<16xi32>], vector<16xf32>,
    %add3A_225 = arith.addf %add3A_221, %gather3A_224 : vector<16xf32>
    %broadcast_in_dim3A_226 = arith.constant 3 : i32
    %broadcast_in_dim3A_227 = vector.broadcast %broadcast_in_dim3A_226 : i32 to vector<16xi32>
    %gather3A_228 = tpu.vector_load_idx %arg18[%add3A_213, %broadcast_in_dim3A_227] : memref<64x16xf32, #tpu.memory_space<vmem>>[vector<16xi32>, vector<16xi32>], vector<16xf32>,
    %add3A_229 = arith.addf %add3A_225, %gather3A_228 : vector<16xf32>
    %broadcast_in_dim3A_230 = arith.constant 4 : i32
    %broadcast_in_dim3A_231 = vector.broadcast %broadcast_in_dim3A_230 : i32 to vector<16xi32>
    %gather3A_232 = tpu.vector_load_idx %arg18[%add3A_213, %broadcast_in_dim3A_231] : memref<64x16xf32, #tpu.memory_space<vmem>>[vector<16xi32>, vector<16xi32>], vector<16xf32>,
    %add3A_233 = arith.addf %add3A_229, %gather3A_232 : vector<16xf32>
    %broadcast_in_dim3A_234 = arith.constant 5 : i32
    %broadcast_in_dim3A_235 = vector.broadcast %broadcast_in_dim3A_234 : i32 to vector<16xi32>
    %gather3A_236 = tpu.vector_load_idx %arg18[%add3A_213, %broadcast_in_dim3A_235] : memref<64x16xf32, #tpu.memory_space<vmem>>[vector<16xi32>, vector<16xi32>], vector<16xf32>,
    %add3A_237 = arith.addf %add3A_233, %gather3A_236 : vector<16xf32>
    %broadcast_in_dim3A_238 = arith.constant 6 : i32
    %broadcast_in_dim3A_239 = vector.broadcast %broadcast_in_dim3A_238 : i32 to vector<16xi32>
    %gather3A_240 = tpu.vector_load_idx %arg18[%add3A_213, %broadcast_in_dim3A_239] : memref<64x16xf32, #tpu.memory_space<vmem>>[vector<16xi32>, vector<16xi32>], vector<16xf32>,
    %add3A_241 = arith.addf %add3A_237, %gather3A_240 : vector<16xf32>
    %broadcast_in_dim3A_242 = arith.constant 7 : i32
    %broadcast_in_dim3A_243 = vector.broadcast %broadcast_in_dim3A_242 : i32 to vector<16xi32>
    %gather3A_244 = tpu.vector_load_idx %arg18[%add3A_213, %broadcast_in_dim3A_243] : memref<64x16xf32, #tpu.memory_space<vmem>>[vector<16xi32>, vector<16xi32>], vector<16xf32>,
    %add3A_245 = arith.addf %add3A_241, %gather3A_244 : vector<16xf32>
    %broadcast_in_dim3A_246 = arith.constant 8 : i32
    %broadcast_in_dim3A_247 = vector.broadcast %broadcast_in_dim3A_246 : i32 to vector<16xi32>
    %gather3A_248 = tpu.vector_load_idx %arg18[%add3A_213, %broadcast_in_dim3A_247] : memref<64x16xf32, #tpu.memory_space<vmem>>[vector<16xi32>, vector<16xi32>], vector<16xf32>,
    %add3A_249 = arith.addf %add3A_245, %gather3A_248 : vector<16xf32>
    %broadcast_in_dim3A_250 = arith.constant 9 : i32
    %broadcast_in_dim3A_251 = vector.broadcast %broadcast_in_dim3A_250 : i32 to vector<16xi32>
    %gather3A_252 = tpu.vector_load_idx %arg18[%add3A_213, %broadcast_in_dim3A_251] : memref<64x16xf32, #tpu.memory_space<vmem>>[vector<16xi32>, vector<16xi32>], vector<16xf32>,
    %add3A_253 = arith.addf %add3A_249, %gather3A_252 : vector<16xf32>
    %broadcast_in_dim3A_254 = arith.constant 10 : i32
    %broadcast_in_dim3A_255 = vector.broadcast %broadcast_in_dim3A_254 : i32 to vector<16xi32>
    %gather3A_256 = tpu.vector_load_idx %arg18[%add3A_213, %broadcast_in_dim3A_255] : memref<64x16xf32, #tpu.memory_space<vmem>>[vector<16xi32>, vector<16xi32>], vector<16xf32>,
    %add3A_257 = arith.addf %add3A_253, %gather3A_256 : vector<16xf32>
    %broadcast_in_dim3A_258 = arith.constant 11 : i32
    %broadcast_in_dim3A_259 = vector.broadcast %broadcast_in_dim3A_258 : i32 to vector<16xi32>
    %gather3A_260 = tpu.vector_load_idx %arg18[%add3A_213, %broadcast_in_dim3A_259] : memref<64x16xf32, #tpu.memory_space<vmem>>[vector<16xi32>, vector<16xi32>], vector<16xf32>,
    %add3A_261 = arith.addf %add3A_257, %gather3A_260 : vector<16xf32>
    %broadcast_in_dim3A_262 = arith.constant 12 : i32
    %broadcast_in_dim3A_263 = vector.broadcast %broadcast_in_dim3A_262 : i32 to vector<16xi32>
    %gather3A_264 = tpu.vector_load_idx %arg18[%add3A_213, %broadcast_in_dim3A_263] : memref<64x16xf32, #tpu.memory_space<vmem>>[vector<16xi32>, vector<16xi32>], vector<16xf32>,
    %add3A_265 = arith.addf %add3A_261, %gather3A_264 : vector<16xf32>
    %broadcast_in_dim3A_266 = arith.constant 13 : i32
    %broadcast_in_dim3A_267 = vector.broadcast %broadcast_in_dim3A_266 : i32 to vector<16xi32>
    %gather3A_268 = tpu.vector_load_idx %arg18[%add3A_213, %broadcast_in_dim3A_267] : memref<64x16xf32, #tpu.memory_space<vmem>>[vector<16xi32>, vector<16xi32>], vector<16xf32>,
    %add3A_269 = arith.addf %add3A_265, %gather3A_268 : vector<16xf32>
    %broadcast_in_dim3A_270 = arith.constant 14 : i32
    %broadcast_in_dim3A_271 = vector.broadcast %broadcast_in_dim3A_270 : i32 to vector<16xi32>
    %gather3A_272 = tpu.vector_load_idx %arg18[%add3A_213, %broadcast_in_dim3A_271] : memref<64x16xf32, #tpu.memory_space<vmem>>[vector<16xi32>, vector<16xi32>], vector<16xf32>,
    %add3A_273 = arith.addf %add3A_269, %gather3A_272 : vector<16xf32>
    %broadcast_in_dim3A_274 = arith.constant 15 : i32
    %broadcast_in_dim3A_275 = vector.broadcast %broadcast_in_dim3A_274 : i32 to vector<16xi32>
    %gather3A_276 = tpu.vector_load_idx %arg18[%add3A_213, %broadcast_in_dim3A_275] : memref<64x16xf32, #tpu.memory_space<vmem>>[vector<16xi32>, vector<16xi32>], vector<16xf32>,
    %add3A_277 = arith.addf %add3A_273, %gather3A_276 : vector<16xf32>
    %swap3A_278 = arith.constant 16 : index
    %swap3A_279 = tpu.vector_load %arg20[%swap3A_278] {strides = array<i32>} : memref<64xf32, #tpu.memory_space<vmem>>, vector<16xf32>,
    tpu.vector_store %arg20[%swap3A_278], %add3A_277 {strides = array<i32>} : memref<64xf32, #tpu.memory_space<vmem>>, vector<16xf32>,
    %add3A_280 = arith.constant 32 : i32
    %add3A_281 = vector.broadcast %add3A_280 : i32 to vector<16xi32>
    %add3A_282 = arith.addi %iota3A, %add3A_281 : vector<16xi32>
    %broadcast_in_dim3A_283 = arith.constant 0 : i32
    %broadcast_in_dim3A_284 = vector.broadcast %broadcast_in_dim3A_283 : i32 to vector<16xi32>
    %gather3A_285 = tpu.vector_load_idx %arg18[%add3A_282, %broadcast_in_dim3A_284] : memref<64x16xf32, #tpu.memory_space<vmem>>[vector<16xi32>, vector<16xi32>], vector<16xf32>,
    %add3A_286 = arith.addf %broadcast_in_dim3A_1, %gather3A_285 : vector<16xf32>
    %broadcast_in_dim3A_287 = arith.constant 1 : i32
    %broadcast_in_dim3A_288 = vector.broadcast %broadcast_in_dim3A_287 : i32 to vector<16xi32>
    %gather3A_289 = tpu.vector_load_idx %arg18[%add3A_282, %broadcast_in_dim3A_288] : memref<64x16xf32, #tpu.memory_space<vmem>>[vector<16xi32>, vector<16xi32>], vector<16xf32>,
    %add3A_290 = arith.addf %add3A_286, %gather3A_289 : vector<16xf32>
    %broadcast_in_dim3A_291 = arith.constant 2 : i32
    %broadcast_in_dim3A_292 = vector.broadcast %broadcast_in_dim3A_291 : i32 to vector<16xi32>
    %gather3A_293 = tpu.vector_load_idx %arg18[%add3A_282, %broadcast_in_dim3A_292] : memref<64x16xf32, #tpu.memory_space<vmem>>[vector<16xi32>, vector<16xi32>], vector<16xf32>,
    %add3A_294 = arith.addf %add3A_290, %gather3A_293 : vector<16xf32>
    %broadcast_in_dim3A_295 = arith.constant 3 : i32
    %broadcast_in_dim3A_296 = vector.broadcast %broadcast_in_dim3A_295 : i32 to vector<16xi32>
    %gather3A_297 = tpu.vector_load_idx %arg18[%add3A_282, %broadcast_in_dim3A_296] : memref<64x16xf32, #tpu.memory_space<vmem>>[vector<16xi32>, vector<16xi32>], vector<16xf32>,
    %add3A_298 = arith.addf %add3A_294, %gather3A_297 : vector<16xf32>
    %broadcast_in_dim3A_299 = arith.constant 4 : i32
    %broadcast_in_dim3A_300 = vector.broadcast %broadcast_in_dim3A_299 : i32 to vector<16xi32>
    %gather3A_301 = tpu.vector_load_idx %arg18[%add3A_282, %broadcast_in_dim3A_300] : memref<64x16xf32, #tpu.memory_space<vmem>>[vector<16xi32>, vector<16xi32>], vector<16xf32>,
    %add3A_302 = arith.addf %add3A_298, %gather3A_301 : vector<16xf32>
    %broadcast_in_dim3A_303 = arith.constant 5 : i32
    %broadcast_in_dim3A_304 = vector.broadcast %broadcast_in_dim3A_303 : i32 to vector<16xi32>
    %gather3A_305 = tpu.vector_load_idx %arg18[%add3A_282, %broadcast_in_dim3A_304] : memref<64x16xf32, #tpu.memory_space<vmem>>[vector<16xi32>, vector<16xi32>], vector<16xf32>,
    %add3A_306 = arith.addf %add3A_302, %gather3A_305 : vector<16xf32>
    %broadcast_in_dim3A_307 = arith.constant 6 : i32
    %broadcast_in_dim3A_308 = vector.broadcast %broadcast_in_dim3A_307 : i32 to vector<16xi32>
    %gather3A_309 = tpu.vector_load_idx %arg18[%add3A_282, %broadcast_in_dim3A_308] : memref<64x16xf32, #tpu.memory_space<vmem>>[vector<16xi32>, vector<16xi32>], vector<16xf32>,
    %add3A_310 = arith.addf %add3A_306, %gather3A_309 : vector<16xf32>
    %broadcast_in_dim3A_311 = arith.constant 7 : i32
    %broadcast_in_dim3A_312 = vector.broadcast %broadcast_in_dim3A_311 : i32 to vector<16xi32>
    %gather3A_313 = tpu.vector_load_idx %arg18[%add3A_282, %broadcast_in_dim3A_312] : memref<64x16xf32, #tpu.memory_space<vmem>>[vector<16xi32>, vector<16xi32>], vector<16xf32>,
    %add3A_314 = arith.addf %add3A_310, %gather3A_313 : vector<16xf32>
    %broadcast_in_dim3A_315 = arith.constant 8 : i32
    %broadcast_in_dim3A_316 = vector.broadcast %broadcast_in_dim3A_315 : i32 to vector<16xi32>
    %gather3A_317 = tpu.vector_load_idx %arg18[%add3A_282, %broadcast_in_dim3A_316] : memref<64x16xf32, #tpu.memory_space<vmem>>[vector<16xi32>, vector<16xi32>], vector<16xf32>,
    %add3A_318 = arith.addf %add3A_314, %gather3A_317 : vector<16xf32>
    %broadcast_in_dim3A_319 = arith.constant 9 : i32
    %broadcast_in_dim3A_320 = vector.broadcast %broadcast_in_dim3A_319 : i32 to vector<16xi32>
    %gather3A_321 = tpu.vector_load_idx %arg18[%add3A_282, %broadcast_in_dim3A_320] : memref<64x16xf32, #tpu.memory_space<vmem>>[vector<16xi32>, vector<16xi32>], vector<16xf32>,
    %add3A_322 = arith.addf %add3A_318, %gather3A_321 : vector<16xf32>
    %broadcast_in_dim3A_323 = arith.constant 10 : i32
    %broadcast_in_dim3A_324 = vector.broadcast %broadcast_in_dim3A_323 : i32 to vector<16xi32>
    %gather3A_325 = tpu.vector_load_idx %arg18[%add3A_282, %broadcast_in_dim3A_324] : memref<64x16xf32, #tpu.memory_space<vmem>>[vector<16xi32>, vector<16xi32>], vector<16xf32>,
    %add3A_326 = arith.addf %add3A_322, %gather3A_325 : vector<16xf32>
    %broadcast_in_dim3A_327 = arith.constant 11 : i32
    %broadcast_in_dim3A_328 = vector.broadcast %broadcast_in_dim3A_327 : i32 to vector<16xi32>
    %gather3A_329 = tpu.vector_load_idx %arg18[%add3A_282, %broadcast_in_dim3A_328] : memref<64x16xf32, #tpu.memory_space<vmem>>[vector<16xi32>, vector<16xi32>], vector<16xf32>,
    %add3A_330 = arith.addf %add3A_326, %gather3A_329 : vector<16xf32>
    %broadcast_in_dim3A_331 = arith.constant 12 : i32
    %broadcast_in_dim3A_332 = vector.broadcast %broadcast_in_dim3A_331 : i32 to vector<16xi32>
    %gather3A_333 = tpu.vector_load_idx %arg18[%add3A_282, %broadcast_in_dim3A_332] : memref<64x16xf32, #tpu.memory_space<vmem>>[vector<16xi32>, vector<16xi32>], vector<16xf32>,
    %add3A_334 = arith.addf %add3A_330, %gather3A_333 : vector<16xf32>
    %broadcast_in_dim3A_335 = arith.constant 13 : i32
    %broadcast_in_dim3A_336 = vector.broadcast %broadcast_in_dim3A_335 : i32 to vector<16xi32>
    %gather3A_337 = tpu.vector_load_idx %arg18[%add3A_282, %broadcast_in_dim3A_336] : memref<64x16xf32, #tpu.memory_space<vmem>>[vector<16xi32>, vector<16xi32>], vector<16xf32>,
    %add3A_338 = arith.addf %add3A_334, %gather3A_337 : vector<16xf32>
    %broadcast_in_dim3A_339 = arith.constant 14 : i32
    %broadcast_in_dim3A_340 = vector.broadcast %broadcast_in_dim3A_339 : i32 to vector<16xi32>
    %gather3A_341 = tpu.vector_load_idx %arg18[%add3A_282, %broadcast_in_dim3A_340] : memref<64x16xf32, #tpu.memory_space<vmem>>[vector<16xi32>, vector<16xi32>], vector<16xf32>,
    %add3A_342 = arith.addf %add3A_338, %gather3A_341 : vector<16xf32>
    %broadcast_in_dim3A_343 = arith.constant 15 : i32
    %broadcast_in_dim3A_344 = vector.broadcast %broadcast_in_dim3A_343 : i32 to vector<16xi32>
    %gather3A_345 = tpu.vector_load_idx %arg18[%add3A_282, %broadcast_in_dim3A_344] : memref<64x16xf32, #tpu.memory_space<vmem>>[vector<16xi32>, vector<16xi32>], vector<16xf32>,
    %add3A_346 = arith.addf %add3A_342, %gather3A_345 : vector<16xf32>
    %swap3A_347 = arith.constant 32 : index
    %swap3A_348 = tpu.vector_load %arg20[%swap3A_347] {strides = array<i32>} : memref<64xf32, #tpu.memory_space<vmem>>, vector<16xf32>,
    tpu.vector_store %arg20[%swap3A_347], %add3A_346 {strides = array<i32>} : memref<64xf32, #tpu.memory_space<vmem>>, vector<16xf32>,
    %add3A_349 = arith.constant 48 : i32
    %add3A_350 = vector.broadcast %add3A_349 : i32 to vector<16xi32>
    %add3A_351 = arith.addi %iota3A, %add3A_350 : vector<16xi32>
    %broadcast_in_dim3A_352 = arith.constant 0 : i32
    %broadcast_in_dim3A_353 = vector.broadcast %broadcast_in_dim3A_352 : i32 to vector<16xi32>
    %gather3A_354 = tpu.vector_load_idx %arg18[%add3A_351, %broadcast_in_dim3A_353] : memref<64x16xf32, #tpu.memory_space<vmem>>[vector<16xi32>, vector<16xi32>], vector<16xf32>,
    %add3A_355 = arith.addf %broadcast_in_dim3A_1, %gather3A_354 : vector<16xf32>
    %broadcast_in_dim3A_356 = arith.constant 1 : i32
    %broadcast_in_dim3A_357 = vector.broadcast %broadcast_in_dim3A_356 : i32 to vector<16xi32>
    %gather3A_358 = tpu.vector_load_idx %arg18[%add3A_351, %broadcast_in_dim3A_357] : memref<64x16xf32, #tpu.memory_space<vmem>>[vector<16xi32>, vector<16xi32>], vector<16xf32>,
    %add3A_359 = arith.addf %add3A_355, %gather3A_358 : vector<16xf32>
    %broadcast_in_dim3A_360 = arith.constant 2 : i32
    %broadcast_in_dim3A_361 = vector.broadcast %broadcast_in_dim3A_360 : i32 to vector<16xi32>
    %gather3A_362 = tpu.vector_load_idx %arg18[%add3A_351, %broadcast_in_dim3A_361] : memref<64x16xf32, #tpu.memory_space<vmem>>[vector<16xi32>, vector<16xi32>], vector<16xf32>,
    %add3A_363 = arith.addf %add3A_359, %gather3A_362 : vector<16xf32>
    %broadcast_in_dim3A_364 = arith.constant 3 : i32
    %broadcast_in_dim3A_365 = vector.broadcast %broadcast_in_dim3A_364 : i32 to vector<16xi32>
    %gather3A_366 = tpu.vector_load_idx %arg18[%add3A_351, %broadcast_in_dim3A_365] : memref<64x16xf32, #tpu.memory_space<vmem>>[vector<16xi32>, vector<16xi32>], vector<16xf32>,
    %add3A_367 = arith.addf %add3A_363, %gather3A_366 : vector<16xf32>
    %broadcast_in_dim3A_368 = arith.constant 4 : i32
    %broadcast_in_dim3A_369 = vector.broadcast %broadcast_in_dim3A_368 : i32 to vector<16xi32>
    %gather3A_370 = tpu.vector_load_idx %arg18[%add3A_351, %broadcast_in_dim3A_369] : memref<64x16xf32, #tpu.memory_space<vmem>>[vector<16xi32>, vector<16xi32>], vector<16xf32>,
    %add3A_371 = arith.addf %add3A_367, %gather3A_370 : vector<16xf32>
    %broadcast_in_dim3A_372 = arith.constant 5 : i32
    %broadcast_in_dim3A_373 = vector.broadcast %broadcast_in_dim3A_372 : i32 to vector<16xi32>
    %gather3A_374 = tpu.vector_load_idx %arg18[%add3A_351, %broadcast_in_dim3A_373] : memref<64x16xf32, #tpu.memory_space<vmem>>[vector<16xi32>, vector<16xi32>], vector<16xf32>,
    %add3A_375 = arith.addf %add3A_371, %gather3A_374 : vector<16xf32>
    %broadcast_in_dim3A_376 = arith.constant 6 : i32
    %broadcast_in_dim3A_377 = vector.broadcast %broadcast_in_dim3A_376 : i32 to vector<16xi32>
    %gather3A_378 = tpu.vector_load_idx %arg18[%add3A_351, %broadcast_in_dim3A_377] : memref<64x16xf32, #tpu.memory_space<vmem>>[vector<16xi32>, vector<16xi32>], vector<16xf32>,
    %add3A_379 = arith.addf %add3A_375, %gather3A_378 : vector<16xf32>
    %broadcast_in_dim3A_380 = arith.constant 7 : i32
    %broadcast_in_dim3A_381 = vector.broadcast %broadcast_in_dim3A_380 : i32 to vector<16xi32>
    %gather3A_382 = tpu.vector_load_idx %arg18[%add3A_351, %broadcast_in_dim3A_381] : memref<64x16xf32, #tpu.memory_space<vmem>>[vector<16xi32>, vector<16xi32>], vector<16xf32>,
    %add3A_383 = arith.addf %add3A_379, %gather3A_382 : vector<16xf32>
    %broadcast_in_dim3A_384 = arith.constant 8 : i32
    %broadcast_in_dim3A_385 = vector.broadcast %broadcast_in_dim3A_384 : i32 to vector<16xi32>
    %gather3A_386 = tpu.vector_load_idx %arg18[%add3A_351, %broadcast_in_dim3A_385] : memref<64x16xf32, #tpu.memory_space<vmem>>[vector<16xi32>, vector<16xi32>], vector<16xf32>,
    %add3A_387 = arith.addf %add3A_383, %gather3A_386 : vector<16xf32>
    %broadcast_in_dim3A_388 = arith.constant 9 : i32
    %broadcast_in_dim3A_389 = vector.broadcast %broadcast_in_dim3A_388 : i32 to vector<16xi32>
    %gather3A_390 = tpu.vector_load_idx %arg18[%add3A_351, %broadcast_in_dim3A_389] : memref<64x16xf32, #tpu.memory_space<vmem>>[vector<16xi32>, vector<16xi32>], vector<16xf32>,
    %add3A_391 = arith.addf %add3A_387, %gather3A_390 : vector<16xf32>
    %broadcast_in_dim3A_392 = arith.constant 10 : i32
    %broadcast_in_dim3A_393 = vector.broadcast %broadcast_in_dim3A_392 : i32 to vector<16xi32>
    %gather3A_394 = tpu.vector_load_idx %arg18[%add3A_351, %broadcast_in_dim3A_393] : memref<64x16xf32, #tpu.memory_space<vmem>>[vector<16xi32>, vector<16xi32>], vector<16xf32>,
    %add3A_395 = arith.addf %add3A_391, %gather3A_394 : vector<16xf32>
    %broadcast_in_dim3A_396 = arith.constant 11 : i32
    %broadcast_in_dim3A_397 = vector.broadcast %broadcast_in_dim3A_396 : i32 to vector<16xi32>
    %gather3A_398 = tpu.vector_load_idx %arg18[%add3A_351, %broadcast_in_dim3A_397] : memref<64x16xf32, #tpu.memory_space<vmem>>[vector<16xi32>, vector<16xi32>], vector<16xf32>,
    %add3A_399 = arith.addf %add3A_395, %gather3A_398 : vector<16xf32>
    %broadcast_in_dim3A_400 = arith.constant 12 : i32
    %broadcast_in_dim3A_401 = vector.broadcast %broadcast_in_dim3A_400 : i32 to vector<16xi32>
    %gather3A_402 = tpu.vector_load_idx %arg18[%add3A_351, %broadcast_in_dim3A_401] : memref<64x16xf32, #tpu.memory_space<vmem>>[vector<16xi32>, vector<16xi32>], vector<16xf32>,
    %add3A_403 = arith.addf %add3A_399, %gather3A_402 : vector<16xf32>
    %broadcast_in_dim3A_404 = arith.constant 13 : i32
    %broadcast_in_dim3A_405 = vector.broadcast %broadcast_in_dim3A_404 : i32 to vector<16xi32>
    %gather3A_406 = tpu.vector_load_idx %arg18[%add3A_351, %broadcast_in_dim3A_405] : memref<64x16xf32, #tpu.memory_space<vmem>>[vector<16xi32>, vector<16xi32>], vector<16xf32>,
    %add3A_407 = arith.addf %add3A_403, %gather3A_406 : vector<16xf32>
    %broadcast_in_dim3A_408 = arith.constant 14 : i32
    %broadcast_in_dim3A_409 = vector.broadcast %broadcast_in_dim3A_408 : i32 to vector<16xi32>
    %gather3A_410 = tpu.vector_load_idx %arg18[%add3A_351, %broadcast_in_dim3A_409] : memref<64x16xf32, #tpu.memory_space<vmem>>[vector<16xi32>, vector<16xi32>], vector<16xf32>,
    %add3A_411 = arith.addf %add3A_407, %gather3A_410 : vector<16xf32>
    %broadcast_in_dim3A_412 = arith.constant 15 : i32
    %broadcast_in_dim3A_413 = vector.broadcast %broadcast_in_dim3A_412 : i32 to vector<16xi32>
    %gather3A_414 = tpu.vector_load_idx %arg18[%add3A_351, %broadcast_in_dim3A_413] : memref<64x16xf32, #tpu.memory_space<vmem>>[vector<16xi32>, vector<16xi32>], vector<16xf32>,
    %add3A_415 = arith.addf %add3A_411, %gather3A_414 : vector<16xf32>
    %swap3A_416 = arith.constant 48 : index
    %swap3A_417 = tpu.vector_load %arg20[%swap3A_416] {strides = array<i32>} : memref<64xf32, #tpu.memory_space<vmem>>, vector<16xf32>,
    tpu.vector_store %arg20[%swap3A_416], %add3A_415 {strides = array<i32>} : memref<64xf32, #tpu.memory_space<vmem>>, vector<16xf32>,
    "tpu.region"() ({
      %run_scoped3A = tpu.sem_alloc : memref<!tpu.dma_semaphore, #tpu.memory_space<semaphore_mem>>
      %dma_start3A_424 = arith.constant 0 : i32
      %dma_start3A_425 = tpu.memref_slice %arg22[%dma_start3A_424] : memref<64xf32, #tpu.memory_space<vmem_shared>> -> memref<64xf32, #tpu.memory_space<vmem_shared>>
      tpu.enqueue_indirect_dma source(%arg20 : memref<64xf32, #tpu.memory_space<vmem>>) target(%dma_start3A_425 : memref<64xf32, #tpu.memory_space<vmem_shared>>) offsets(%arg21 : memref<64xi32, #tpu.memory_space<vmem>>) semaphore(%run_scoped3A : memref<!tpu.dma_semaphore, #tpu.memory_space<semaphore_mem>>) {add = true}
      %dma_wait3A_426 = arith.constant 0 : i32
      %dma_wait3A_427 = tpu.memref_slice %arg22[%dma_wait3A_426] : memref<64xf32, #tpu.memory_space<vmem_shared>> -> memref<64xf32, #tpu.memory_space<vmem_shared>>
      tpu.wait_indirect_dma semaphore(%run_scoped3A : memref<!tpu.dma_semaphore, #tpu.memory_space<semaphore_mem>>) src(%arg20 : memref<64xf32, #tpu.memory_space<vmem>>) dst(%dma_wait3A_427 : memref<64xf32, #tpu.memory_space<vmem_shared>>)
      tpu.yield
    }) : () -> ()
    %barrier3A_418 = arith.constant 0 : index
    tpu.barrier barrier_id(%barrier3A_418)
    %eq3A_419 = arith.constant 0 : i32
    %eq3A_420 = arith.cmpi eq, %arg1, %eq3A_419 : i32
    %convert_element_type3A_421 = arith.extui %eq3A_420 : i1 to i32
    %cond3A_422 = arith.constant 0 : i32
    %cond3A_423 = arith.cmpi ne, %convert_element_type3A_421, %cond3A_422 : i32
    scf.if %cond3A_423 {
      "tpu.region"() ({
        %run_scoped3A = tpu.sem_alloc : memref<!tpu.dma_semaphore, #tpu.memory_space<semaphore_mem>>
        %dma_start3A_424 = arith.constant 0 : i32
        %dma_start3A_425 = tpu.memref_slice %arg7[%arg0, %dma_start3A_424] : memref<2x64xf32, #tpu.memory_space<hbm>> -> memref<1x64xf32, #tpu.memory_space<hbm>>
        %dma_start3A_426 = tpu.memref_squeeze %dma_start3A_425 : memref<1x64xf32, #tpu.memory_space<hbm>> -> memref<64xf32, #tpu.memory_space<hbm>>
        tpu.enqueue_dma source(%arg22 : memref<64xf32, #tpu.memory_space<vmem_shared>>) target(%dma_start3A_426 : memref<64xf32, #tpu.memory_space<hbm>>) target_semaphore(%run_scoped3A : memref<!tpu.dma_semaphore, #tpu.memory_space<semaphore_mem>>)
        %dma_wait3A_427 = arith.constant 0 : i32
        %dma_wait3A_428 = tpu.memref_slice %arg7[%arg0, %dma_wait3A_427] : memref<2x64xf32, #tpu.memory_space<hbm>> -> memref<1x64xf32, #tpu.memory_space<hbm>>
        %dma_wait3A_429 = tpu.memref_squeeze %dma_wait3A_428 : memref<1x64xf32, #tpu.memory_space<hbm>> -> memref<64xf32, #tpu.memory_space<hbm>>
        tpu.wait_dma2 semaphore(%run_scoped3A : memref<!tpu.dma_semaphore, #tpu.memory_space<semaphore_mem>>) src(%arg22 : memref<64xf32, #tpu.memory_space<vmem_shared>>) dst(%dma_wait3A_429 : memref<64xf32, #tpu.memory_space<hbm>>)
        tpu.yield
      }) : () -> ()
    } else {
    }
    return
  }
}

</mosaic_0001>

<sc_bundles>
// kernel: kernel.3.cloned.1.call-start
scs
__scs_entry_jumppad:
0x0: {  	(pc) =	sbr.rel $0x88, $3  }
0x1: {  	(tag) =	ssettag $0x0;
	lr =	simm.s32 $0x1  }
0x2: {  	[smem:$0x3F9C] =	sst lr;
	_ =	strace $0xD0000000  }
0x3: {  	_ = 	snop  }
0x4: {  	_ = 	snop  }
0x5: {  	_ = 	snop  }
0x6: {  	_ = 	snop  }
0x7: {  	_ = 	snop  }
__scs_overlays_trampoline_lowered:
0x8: {  	[smem:$0x3FAB] =	sst s0  }
0x9: {  	[smem:$0x3FAC] =	sst s1  }
0xa: {  	[smem:$0x3FAD] =	sst s2  }
0xb: {  	[smem:$0x3FAE] =	sst s3  }
0xc: {  	[smem:$0x3FAF] =	sst s4  }
0xd: {  	[smem:$0x3FB0] =	sst s5  }
0xe: {  	[smem:$0x3FB1] =	sst s6  }
0xf: {  	[smem:$0x3FB2] =	sst s7  }
0x10: {  	[smem:$0x3FB3] =	sst s8  }
0x11: {  	[smem:$0x3FB4] =	sst s9;
	s0 =	simm.s32 @!p0 $0x0  }
0x12: {  	s1 =	sld [smem:$0x3F9A];
	s0 =	simm.s32 @p0 $0x1  }
0x13: {  	[smem:$0x3FB5] =	sst s0;
	s0 =	simm.s32 @!p1 $0x0  }
0x14: {  	s2 =	sld [smem:$0x3F99];
	s0 =	simm.s32 @p1 $0x1  }
0x15: {  	[smem:$0x3FB6] =	sst s0;
	s0 =	simm.s32 @!p2 $0x0  }
0x16: {  	s3 =	sld [smem:$0x3FDB];
	s0 =	simm.s32 @p2 $0x1  }
0x17: {  	s4 =	simm.s32 $0x1BF5;
	[smem:$0x3FB8] =	sst s0  }
0x18: {  	s0 =	sld [smem:$0x3F9B];
	_ =	swait.ge [sflag:s4], $0x0  }
0x19: {  	s7 =	sld [smem:$0x3F9C]  }
0x1a: {  	s8 =	sadd.s32 $0xFFFFE003, lr  }
0x1b: {  	s9 =	sadd.s32 $0xFFFFFEF7, lr;
	s5 =	simm.s32 $0xFFFFFFFF;
	p2 =	slt.u32 s8, $0xFFFFF086  }
0x1c: {  	p1 =	slt.u32 s9, $0xF7A;
	s5 =	simm.s32 @!p2 $0x0  }
0x1d: {  	s5 =	simm.s32 @p1 $0x1;
	p0 =	seq.s32 s7, s2  }
0x1e: {  	s7 =	smul.u32 @!p0 $0xF7A, s2;
	p2 =	seq.s32 @!p0 s5, $0x0  }
0x1f: {  	s9 =	smul.u32 $0xF7A, s1;
	s8 =	simm.s32 @!p0 $0x1BF5;
	p2 =	por !p2, p0  }
0x20: {  	[sflag:s8] =	ssyncset.s32 @!p0 $0xFFFFF086;
	s6 =	sadd.s32 @!p0 s3, s7;
	s7 =	simm.s32 @!p0 $0x108  }
0x21: {  	s3 =	sadd.s32 s3, s9;
	s6 =	sadd.s32 @!p0 $0x88, s6;
	s7 =	simm.s32 @p2 $0x1082  }
0x22: {  	[simem:s7], [sflag:s8] =	dma.local @!p0 [hbm:s6], $0xF7A  }
0x23: {  	s9 =	sor.u32 $0xD0000000, s2;
	s6 =	simm.s32 $0x108;
	_ =	swait.ge @!p0 [sflag:s8], $0x0  }
0x24: {  	s3 =	sadd.s32 $0x88, s3;
	s6 =	simm.s32 @!p1 $0x1082;
	[sflag:s4] =	ssyncset.s32 $0xFFFFF086  }
0x25: {  	[simem:s6], [sflag:s4] =	dma.local [hbm:s3], $0xF7A  }
0x26: {  	[smem:$0x3F9C] =	sst s1;
	(tag) =	ssettag s2;
	_ =	strace s9  }
0x27: {  	s1 =	sld [smem:$0x3FAC]  }
0x28: {  	s2 =	sld [smem:$0x3FAD]  }
0x29: {  	s4 =	sld [smem:$0x3FAF]  }
0x2a: {  	p0 =	seq.s32 s5, $0x0;
	s5 =	sld [smem:$0x3FB0]  }
0x2b: {  	s6 =	sld [smem:$0x3FB1]  }
0x2c: {  	s7 =	sld [smem:$0x3FB2]  }
0x2d: {  	s3 =	simm.s32 $0x108;
	s8 =	sld [smem:$0x3FB3]  }
0x2e: {  	s3 =	simm.s32 @!p0 $0x1082;
	s9 =	sld [smem:$0x3FB4]  }
0x2f: {  	lr =	sadd.s32 s0, s3;
	s0 =	sld [smem:$0x3FAB]  }
0x30: {  	s3 =	sld [smem:$0x3FAE]  }
0x31: {  	[smem:$0x3FB7] =	sst s10  }
0x32: {  	s10 =	sld [smem:$0x3FB5];
	_ =	sdelay $0x3  }
0x33: {  	p0 =	seq.s32 s10, $0x1;
	s10 =	sld [smem:$0x3FB7];
	_ =	sdelay $0x3  }
0x34: {  	[smem:$0x3FB7] =	sst s10  }
0x35: {  	s10 =	sld [smem:$0x3FB6];
	_ =	sdelay $0x3  }
0x36: {  	p1 =	seq.s32 s10, $0x1;
	s10 =	sld [smem:$0x3FB7];
	_ =	sdelay $0x3  }
0x37: {  	[smem:$0x3FB7] =	sst s10  }
0x38: {  	s10 =	sld [smem:$0x3FB8]  }
0x39: {  	_ = 	snop;
	(pc) =	sbr.ind lr, $3  }
0x3a: {  	_ = 	snop  }
0x3b: {  	_ = 	snop  }
0x3c: {  	p2 =	seq.s32 s10, $0x1;
	s10 =	sld [smem:$0x3FB7]  }
0x3d: {  	_ =	shalt  }
0x3e: {  	_ =	shalt  }
0x3f: {  	_ =	shalt  }
0x40: {  	_ =	shalt  }
0x41: {  	_ =	shalt  }
0x42: {  	_ =	shalt  }
0x43: {  	_ =	shalt  }
0x44: {  	_ =	shalt  }
0x45: {  	_ =	shalt  }
0x46: {  	_ =	shalt  }
0x47: {  	_ =	shalt  }
0x48: {  	_ =	shalt  }
0x49: {  	_ =	shalt  }
0x4a: {  	_ =	shalt  }
0x4b: {  	_ =	shalt  }
0x4c: {  	_ =	shalt  }
0x4d: {  	_ =	shalt  }
0x4e: {  	_ =	shalt  }
0x4f: {  	_ =	shalt  }
0x50: {  	_ =	shalt  }
0x51: {  	_ =	shalt  }
0x52: {  	_ =	shalt  }
0x53: {  	_ =	shalt  }
0x54: {  	_ =	shalt  }
0x55: {  	_ =	shalt  }
0x56: {  	_ =	shalt  }
0x57: {  	_ =	shalt  }
0x58: {  	_ =	shalt  }
0x59: {  	_ =	shalt  }
0x5a: {  	_ =	shalt  }
0x5b: {  	_ =	shalt  }
0x5c: {  	_ =	shalt  }
0x5d: {  	_ =	shalt  }
0x5e: {  	_ =	shalt  }
0x5f: {  	_ =	shalt  }
0x60: {  	_ =	shalt  }
0x61: {  	_ =	shalt  }
0x62: {  	_ =	shalt  }
0x63: {  	_ =	shalt  }
0x64: {  	_ =	shalt  }
0x65: {  	_ =	shalt  }
0x66: {  	_ =	shalt  }
0x67: {  	_ =	shalt  }
0x68: {  	_ =	shalt  }
0x69: {  	_ =	shalt  }
0x6a: {  	_ =	shalt  }
0x6b: {  	_ =	shalt  }
0x6c: {  	_ =	shalt  }
0x6d: {  	_ =	shalt  }
0x6e: {  	_ =	shalt  }
0x6f: {  	_ =	shalt  }
0x70: {  	_ =	shalt  }
0x71: {  	_ =	shalt  }
0x72: {  	_ =	shalt  }
0x73: {  	_ =	shalt  }
0x74: {  	_ =	shalt  }
0x75: {  	_ =	shalt  }
0x76: {  	_ =	shalt  }
0x77: {  	_ =	shalt  }
0x78: {  	_ =	shalt  }
0x79: {  	_ =	shalt  }
0x7a: {  	_ =	shalt  }
0x7b: {  	_ =	shalt  }
0x7c: {  	_ =	shalt  }
0x7d: {  	_ =	shalt  }
0x7e: {  	_ =	shalt  }
0x7f: {  	_ =	shalt  }
0x80: {  	_ =	shalt  }
0x81: {  	_ =	shalt  }
0x82: {  	_ =	shalt  }
0x83: {  	_ =	shalt  }
0x84: {  	_ =	shalt  }
0x85: {  	_ =	shalt  }
0x86: {  	_ =	shalt  }
0x87: {  	_ =	shalt  }
.Lfunc_end0:
.L_simem_size_0:
called_computation_lowered:
.L_overlay_start_0:
0x88: {  	s2 =	sld [smem:$0x3FD9]  }
0x89: {  	s3 =	sld [smem:$0x3FFE];
	_ =	sdelay $0x1  }
0x8a: {  	s1 =	srdreg.scid  }
0x8b: {  	s0 =	sand.u32 $0x1, s1  }
0x8c: {  	s17 =	sshll.u32 s0, $0xA;
	s2 =	sadd.s32 s3, s2  }
0x8d: {  	s2 =	sadd.s32 s2, s17  }
0x8e: {  	[smem:$0x3FC3] =	sst s2  }
0x8f: {  	_ = 	snop  }
0x90: {  	s2 =	sld [smem:$0x3FC6]  }
0x91: {  	s18 =	sld [smem:$0x3FD0];
	(tm) =	ssettm $0x1  }
0x92: {  	s4 =	sld [smem:$0x3FFB];
	_ =	sdelay $0x3  }
0x93: {  	_ =	strace s4  }
0x94: {  	s4 =	sld [smem:$0x3FFC];
	_ =	sdelay $0x3  }
0x95: {  	_ =	strace s4  }
0x96: {  	s4 =	sld [smem:$0x3FFD];
	_ =	sdelay $0x3  }
0x97: {  	_ =	strace s4  }
0x98: {  	_ =	strace $0x8FFFFFFF  }
0x99: {  	s19 =	sld [smem:$0x3FDB];
	_ =	sdelay $0x1  }
0x9a: {  	s5 =	simm.s32 $_scs_section_size  }
0x9b: {  	s6 =	simm.s32 $_size__tile_overlayer_lowered;
	s7 =	simm.s32 $_tile_overlayer_lowered  }
0x9c: {  	s22 =	simm.s32 $0x1BFF;
	s21 =	sshll.u32 s7, $0x1;
	s4 =	sadd.s32 s5, s19  }
0x9d: {  	s8 =	simm.s32 $0x0;
	s20 =	sshll.u32 s6, $0x1;
	s6 =	sadd.s32 s21, s4  }
0x9e: {  	[timem:s8], [sflag:s22] =	dma.local [hbm:s6], s20  }
0x9f: {  	_ =	swait.ge [sflag:s22], s20  }
0xa0: {  	s5 =	ssub.s32 $0x0, s20;
	[sflag:s22] =	ssyncset.done $0x0  }
0xa1: {  	[sflag:s22] =	ssyncadd.s32 s5;
	_ =	sdelay $0x1  }
0xa2: {  	s23 =	simm.s32 $0x1B8B  }
0xa3: {  	_ =	swait.ge [sflag:s23], $0x1  }
0xa4: {  	[sflag:s23] =	ssyncset.done $0x0  }
0xa5: {  	s25 =	simm.s32 $0x1B8E;
	s24 =	sld [smem:$0x3FFE];
	[sflag:s23] =	ssyncadd.s32 $0xFFFFFFFF  }
0xa6: {  	s26 =	simm.s32 $execute0_lowered;
	[smem:$0x3FD2] =	sst s25  }
0xa7: {  	s6 =	sshll.u32 s26, $0x1;
	_ =	strace $0x80000046;
	[dreg:$0x1] =	wrdreg $0xFFFFFFFF  }
0xa8: {  	s28 =	simm.s32 $_size_execute0_lowered;
	s4 =	sadd.s32 s4, s6;
	[dreg:$0x0] =	wrdreg $0x0  }
0xa9: {  	s6 =	sshll.u32 s28, $0x1;
	[dreg:$0x2] =	wrdreg s4  }
0xaa: {  	[dreg:$0x3] =	wrdreg s6  }
0xab: {  	[dreg:$0x4] =	wrdreg $0xC0  }
0xac: {  	_ =	task [dreg:s8], $0x5FFFF  }
0xad: {  	[dreg:$0x1] =	wrdreg $0xFFFFFFFF  }
0xae: {  	[dreg:$0x0] =	wrdreg $0x60  }
0xaf: {  	[dreg:$0x2] =	wrdreg s24  }
0xb0: {  	[dreg:$0x3] =	wrdreg s2  }
0xb1: {  	[dreg:$0x4] =	wrdreg s18  }
0xb2: {  	[dreg:$0x5] =	wrdreg $0x102E00  }
0xb3: {  	[dreg:$0x6] =	wrdreg $0x9  }
0xb4: {  	_ =	task.clear_ibuf [dreg:s8], $0x7FFFF;
	_ =	strace $0x90000046  }
0xb5: {  	s29 =	simm.s32 $0x9;
	_ =	strace $0x80000048  }
0xb6: {  	_ =	swait.ge [sflag:s29], $0x1  }
0xb7: {  	[sflag:s29] =	ssyncadd.s32 $0xFFFFFFFF  }
0xb8: {  	_ =	strace $0x90000048  }
0xb9: {  	_ =	sfence  }
0xba: {  	s30 =	sld [smem:$0x0];
	_ =	sdelay $0x2  }
0xbb: {  	s31 =	sshll.u32 s1, $0xD;
	s1 =	sshrl.u32 s1, $0x2  }
0xbc: {  	s3 =	sand.u32 $0x4000, s31;
	s1 =	sadd.s32 s1, s30  }
0xbd: {  	s0 =	sor.u32 s3, s0;
	s1 =	sshll.u32 s1, $0x11  }
0xbe: {  	s0 =	sor.u32 s1, s0  }
0xbf: {  	s0 =	sadd.s32 $0x8F2B, s0  }
0xc0: {  	[sflag:s0] =	ssyncadd.remote.s32 $0x1  }
0xc1: {  	_ =	sfence.sel $0xFFFF  }
0xc2: {  	[dreg:$0x0] =	wrdreg $0xFFFFFFFF;
	(pc) =	sbr.abs _section_cstart, $3  }
0xc3: {  	[dreg:$0x1] =	wrdreg $0xFFFFFFFF  }
0xc4: {  	_ =	task.clear_ibuf [dreg:s8], $0x2FFFF;
	_ =	strace $0x9FFFFFFF  }
0xc5: {  	(tm) =	ssettm $0x7FFFFFFF  }
tec
execute0_lowered:
.L_overlay_start_1:
0x0: {  	(tag) =	ssettag $0x1  }
0x1: {  	s1 =	rddreg [dreg:$0x0]  }
0x2: {  	s2 =	srdreg.scid;
	s0 =	rddreg [dreg:$0x1]  }
0x3: {  	s7 =	rddreg [dreg:$0x2];
	s8 =	stileid.u32;
	s18 =	simm.s32 $0xDEC0  }
0x4: {  	s21 =	simm.s32 $0x5;
	s29 =	simm.s32 $0x6;
	s30 =	simm.s32 $0x76C0  }
0x5: {  	s31 =	simm.s32 $0xA8C0;
	s16 =	simm.s32 $0x1;
	s17 =	simm.s32 $0x2  }
0x6: {  	s19 =	simm.s32 $0xDAC0;
	s20 =	simm.s32 $0x3;
	s28 =	simm.s32 $0x4  }
0x7: {  	s2 =	sand.u32 $0x1, s2;
	s5 =	sadd.s32 $0x1B8400, s1;
	s6 =	sadd.s32 $0xC00, s1  }
0x8: {  	p0 =	sne.s32 s8, $0x0;
	s3 =	sshll.u32 s2, $0x4;
	s22 =	ssub.s32 $0x2, s2  }
0x9: {  	s2 =	sshll.u32 s2, $0x3;
	s4 =	sor.u32 s8, s3;
	s3 =	simm.s32 $0x0  }
0xa: {  	s12 =	sshrl.u32 s22, $0x1;
	s2 =	sadd.s32 s7, s2;
	s9 =	smul.u32 $0x30D40, s4  }
0xb: {  	[smem:$0x7FF] =	sst s3;
	s4 =	sadd.s32 $0x187600, s1;
	s1 =	sadd.s32 $0x600, s1  }
0xc: {  	_ =	strace $0x80000047;
	[dreg:$0x5] =	wrdreg s1;
	s1 =	ssub.s32 s22, s12  }
0xd: {  	[dreg:$0xc] =	wrdreg s2;
	s22 =	simm.s32 $0x50;
	s12 =	simm.s32 $0xFA0  }
0xe: {  	s2 =	simm.s32 $0x7;
	s10 =	sadd.s32 $0x320, s9;
	s13 =	sshrl.u32 s9, $0x3  }
0xf: {  	s14 =	sadd.s32 $0x640, s9;
	s15 =	sadd.s32 $0x960, s9;
	s1 =	smax.u32 s1, $0x1  }
0x10: {  	v0 =	vlaneseq.u32;
	s9 =	simm.s32 $0x0;
	s11 =	smulhi.u32 $0xCCCCCCCD, s10;
	s23 =	sadd.s32 s5, s13  }
0x11: {  	v1 =	vmul.u32 $0x10, v0;
	s24 =	sadd.s32 s6, s13;
	s25 =	sadd.s32 s0, s13;
	[dreg:$0xd] =	wrdreg s1  }
0x12: {  	v2 =	vimm.f32 $0.0e+00;
	v3 =	vor.u32 $0x10, v0;
	v4 =	vor.u32 $0x20, v0;
	s10 =	sshrl.u32 s10, $0x3;
	[dreg:$0x6] =	wrdreg s23;
	s11 =	sshrl.u32 s11, $0x6  }
0x13: {  	v5 =	vor.u32 $0x30, v0;
	v6 =	vor.u32 $0x1, v1;
	v7 =	vor.u32 $0x2, v1;
	s13 =	simm.s32 $0xD5C0;
	[dreg:$0x7] =	wrdreg s24;
	s11 =	smul.u32 $0x50, s11  }
.Ltmp0:
0x14: {  	v8 =	vor.u32 $0x3, v1;
	v9 =	vor.u32 $0x4, v1;
	v10 =	vor.u32 $0x5, v1;
	s1 =	simm.s32 $0x8;
	[dreg:$0x8] =	wrdreg s25;
	(pc) =	sbr.rel .LBB2_1-.Ltmp0, $4  }
0x15: {  	v11 =	vor.u32 $0x6, v1;
	v12 =	vor.u32 $0x7, v1;
	v13 =	vor.u32 $0x8, v1;
	s10 =	sadd.s32 s0, s10;
	s23 =	simm.s32 $0x12C0;
	s11 =	sshrl.u32 s11, $0x3  }
0x16: {  	v14 =	vor.u32 $0x9, v1;
	v15 =	vor.u32 $0xA, v1;
	v16 =	vor.u32 $0xB, v1;
	s24 =	simm.s32 $0x44C0;
	[dreg:$0xb] =	wrdreg s10;
	s26 =	sadd.s32 s5, s11  }
0x17: {  	v17 =	vor.u32 $0xC, v1;
	v18 =	vor.u32 $0xD, v1;
	v19 =	vor.u32 $0xE, v1;
	s25 =	simm.s32 $0x960;
	s11 =	sadd.s32 s6, s11;
	[dreg:$0x9] =	wrdreg s26  }
0x18: {  	v20 =	vor.u32 $0xF, v1;
	v21 =	vor.u32 $0x100, v1;
	v22 =	vor.u32 $0x101, v1;
	s10 =	simm.s32 $0x9;
	[dreg:$0xa] =	wrdreg s11;
	s26 =	simm.s32 $0xC80  }
.LBB2_13:
0x19: {  	_ =	sdelay $0x3  }
0x1a: {  	v23 =	vld.idx.msk [tilespmem:v1+s19+$0x0], $0xffff;
	_ =	sdelay $0x1  }
0x1b: {  	v24 =	vld.idx.msk [tilespmem:v6+s19+$0x0], $0xffff;
	_ =	sdelay $0x1  }
0x1c: {  	v25 =	vld.idx.msk [tilespmem:v7+s19+$0x0], $0xffff  }
0x1d: {  	v23 =	vadd.f32 $0.0e+00, v23  }
0x1e: {  	v26 =	vld.idx.msk [tilespmem:v8+s19+$0x0], $0xffff  }
0x1f: {  	v23 =	vadd.f32 v24, v23  }
0x20: {  	v38 =	vld.idx.msk [tilespmem:v9+s19+$0x0], $0xffff  }
0x21: {  	v23 =	vadd.f32 v25, v23  }
0x22: {  	v39 =	vld.idx.msk [tilespmem:v10+s19+$0x0], $0xffff  }
0x23: {  	v23 =	vadd.f32 v26, v23  }
0x24: {  	v40 =	vld.idx.msk [tilespmem:v11+s19+$0x0], $0xffff  }
0x25: {  	v23 =	vadd.f32 v38, v23  }
0x26: {  	v41 =	vld.idx.msk [tilespmem:v12+s19+$0x0], $0xffff  }
0x27: {  	v23 =	vadd.f32 v39, v23  }
0x28: {  	v42 =	vld.idx.msk [tilespmem:v13+s19+$0x0], $0xffff  }
0x29: {  	v23 =	vadd.f32 v40, v23  }
0x2a: {  	v43 =	vld.idx.msk [tilespmem:v14+s19+$0x0], $0xffff  }
0x2b: {  	v23 =	vadd.f32 v41, v23  }
0x2c: {  	v44 =	vld.idx.msk [tilespmem:v15+s19+$0x0], $0xffff  }
0x2d: {  	v23 =	vadd.f32 v42, v23  }
0x2e: {  	v45 =	vld.idx.msk [tilespmem:v16+s19+$0x0], $0xffff  }
0x2f: {  	v23 =	vadd.f32 v43, v23  }
0x30: {  	v46 =	vld.idx.msk [tilespmem:v17+s19+$0x0], $0xffff  }
0x31: {  	v23 =	vadd.f32 v44, v23  }
0x32: {  	v47 =	vld.idx.msk [tilespmem:v18+s19+$0x0], $0xffff  }
0x33: {  	v23 =	vadd.f32 v45, v23  }
0x34: {  	v48 =	vld.idx.msk [tilespmem:v19+s19+$0x0], $0xffff  }
0x35: {  	v23 =	vadd.f32 v46, v23  }
0x36: {  	v49 =	vld.idx.msk [tilespmem:v20+s19+$0x0], $0xffff  }
0x37: {  	v23 =	vadd.f32 v47, v23;
	_ =	sdelay $0x1  }
0x38: {  	v23 =	vadd.f32 v48, v23;
	_ =	sdelay $0x1  }
0x39: {  	v23 =	vadd.f32 v49, v23;
	_ =	sdelay $0x1  }
0x3a: {  	[tilespmem:$0x10260] =	vst v23;
	v23 =	vor.u32 $0x102, v1  }
0x3b: {  	v50 =	vld.idx.msk [tilespmem:v21+s19+$0x0], $0xffff  }
0x3c: {  	v51 =	vor.u32 $0x103, v1  }
0x3d: {  	v52 =	vld.idx.msk [tilespmem:v22+s19+$0x0], $0xffff  }
0x3e: {  	v27 =	vor.u32 $0x104, v1  }
0x3f: {  	v23 =	vld.idx.msk [tilespmem:v23+s19+$0x0], $0xffff  }
0x40: {  	v28 =	vor.u32 $0x105, v1;
	v24 =	vadd.f32 $0.0e+00, v50  }
0x41: {  	v25 =	vld.idx.msk [tilespmem:v51+s19+$0x0], $0xffff  }
0x42: {  	v53 =	vor.u32 $0x106, v1;
	v24 =	vadd.f32 v52, v24  }
0x43: {  	v27 =	vld.idx.msk [tilespmem:v27+s19+$0x0], $0xffff  }
0x44: {  	v54 =	vor.u32 $0x107, v1;
	v23 =	vadd.f32 v23, v24  }
0x45: {  	v28 =	vld.idx.msk [tilespmem:v28+s19+$0x0], $0xffff  }
0x46: {  	v55 =	vor.u32 $0x108, v1;
	v23 =	vadd.f32 v25, v23  }
0x47: {  	v26 =	vld.idx.msk [tilespmem:v53+s19+$0x0], $0xffff  }
0x48: {  	v56 =	vor.u32 $0x109, v1;
	v23 =	vadd.f32 v27, v23  }
0x49: {  	v24 =	vld.idx.msk [tilespmem:v54+s19+$0x0], $0xffff  }
0x4a: {  	v57 =	vor.u32 $0x10A, v1;
	v23 =	vadd.f32 v28, v23  }
0x4b: {  	v25 =	vld.idx.msk [tilespmem:v55+s19+$0x0], $0xffff  }
0x4c: {  	v58 =	vor.u32 $0x10B, v1;
	v23 =	vadd.f32 v26, v23  }
0x4d: {  	v27 =	vld.idx.msk [tilespmem:v56+s19+$0x0], $0xffff  }
0x4e: {  	v59 =	vor.u32 $0x10C, v1;
	v23 =	vadd.f32 v24, v23  }
0x4f: {  	v28 =	vld.idx.msk [tilespmem:v57+s19+$0x0], $0xffff  }
0x50: {  	v60 =	vor.u32 $0x10D, v1;
	v23 =	vadd.f32 v25, v23  }
0x51: {  	v26 =	vld.idx.msk [tilespmem:v58+s19+$0x0], $0xffff  }
0x52: {  	v61 =	vor.u32 $0x10E, v1;
	v23 =	vadd.f32 v27, v23  }
0x53: {  	v24 =	vld.idx.msk [tilespmem:v59+s19+$0x0], $0xffff  }
0x54: {  	v62 =	vor.u32 $0x10F, v1;
	v23 =	vadd.f32 v28, v23  }
0x55: {  	v25 =	vld.idx.msk [tilespmem:v60+s19+$0x0], $0xffff  }
0x56: {  	v23 =	vadd.f32 v26, v23  }
0x57: {  	v63 =	vld.idx.msk [tilespmem:v61+s19+$0x0], $0xffff  }
0x58: {  	v23 =	vadd.f32 v24, v23  }
0x59: {  	v29 =	vld.idx.msk [tilespmem:v62+s19+$0x0], $0xffff  }
0x5a: {  	v23 =	vadd.f32 v25, v23;
	_ =	sdelay $0x1  }
0x5b: {  	v30 =	vor.u32 $0x200, v1;
	v23 =	vadd.f32 v63, v23;
	_ =	sdelay $0x1  }
0x5c: {  	v31 =	vor.u32 $0x201, v1;
	v23 =	vadd.f32 v29, v23;
	_ =	sdelay $0x1  }
0x5d: {  	[tilespmem:$0x10270] =	vst v23;
	v23 =	vor.u32 $0x202, v1  }
0x5e: {  	v25 =	vld.idx.msk [tilespmem:v30+s19+$0x0], $0xffff  }
0x5f: {  	v32 =	vor.u32 $0x203, v1  }
0x60: {  	v24 =	vld.idx.msk [tilespmem:v31+s19+$0x0], $0xffff  }
0x61: {  	v33 =	vor.u32 $0x204, v1  }
0x62: {  	v23 =	vld.idx.msk [tilespmem:v23+s19+$0x0], $0xffff  }
0x63: {  	v34 =	vor.u32 $0x205, v1;
	v25 =	vadd.f32 $0.0e+00, v25  }
0x64: {  	v26 =	vld.idx.msk [tilespmem:v32+s19+$0x0], $0xffff  }
0x65: {  	v35 =	vor.u32 $0x206, v1;
	v24 =	vadd.f32 v24, v25  }
0x66: {  	v27 =	vld.idx.msk [tilespmem:v33+s19+$0x0], $0xffff  }
0x67: {  	v36 =	vor.u32 $0x207, v1;
	v23 =	vadd.f32 v23, v24  }
0x68: {  	v28 =	vld.idx.msk [tilespmem:v34+s19+$0x0], $0xffff  }
0x69: {  	v37 =	vor.u32 $0x208, v1;
	v23 =	vadd.f32 v26, v23  }
0x6a: {  	v25 =	vld.idx.msk [tilespmem:v35+s19+$0x0], $0xffff  }
0x6b: {  	v38 =	vor.u32 $0x209, v1;
	v23 =	vadd.f32 v27, v23  }
0x6c: {  	v24 =	vld.idx.msk [tilespmem:v36+s19+$0x0], $0xffff  }
0x6d: {  	v39 =	vor.u32 $0x20A, v1;
	v23 =	vadd.f32 v28, v23  }
0x6e: {  	v26 =	vld.idx.msk [tilespmem:v37+s19+$0x0], $0xffff  }
0x6f: {  	v40 =	vor.u32 $0x20B, v1;
	v23 =	vadd.f32 v25, v23  }
0x70: {  	v27 =	vld.idx.msk [tilespmem:v38+s19+$0x0], $0xffff  }
0x71: {  	v41 =	vor.u32 $0x20C, v1;
	v23 =	vadd.f32 v24, v23  }
0x72: {  	v28 =	vld.idx.msk [tilespmem:v39+s19+$0x0], $0xffff  }
0x73: {  	v42 =	vor.u32 $0x20D, v1;
	v23 =	vadd.f32 v26, v23  }
0x74: {  	v25 =	vld.idx.msk [tilespmem:v40+s19+$0x0], $0xffff  }
0x75: {  	v43 =	vor.u32 $0x20E, v1;
	v23 =	vadd.f32 v27, v23  }
0x76: {  	v24 =	vld.idx.msk [tilespmem:v41+s19+$0x0], $0xffff  }
0x77: {  	v44 =	vor.u32 $0x20F, v1;
	v23 =	vadd.f32 v28, v23  }
0x78: {  	v26 =	vld.idx.msk [tilespmem:v42+s19+$0x0], $0xffff  }
0x79: {  	v23 =	vadd.f32 v25, v23  }
0x7a: {  	v45 =	vld.idx.msk [tilespmem:v43+s19+$0x0], $0xffff  }
0x7b: {  	v23 =	vadd.f32 v24, v23  }
0x7c: {  	v46 =	vld.idx.msk [tilespmem:v44+s19+$0x0], $0xffff  }
0x7d: {  	v23 =	vadd.f32 v26, v23;
	_ =	sdelay $0x1  }
0x7e: {  	v47 =	vor.u32 $0x300, v1;
	v23 =	vadd.f32 v45, v23;
	_ =	sdelay $0x1  }
0x7f: {  	v48 =	vor.u32 $0x301, v1;
	v23 =	vadd.f32 v46, v23;
	_ =	sdelay $0x1  }
0x80: {  	[tilespmem:$0x10280] =	vst v23;
	v23 =	vor.u32 $0x302, v1  }
0x81: {  	v25 =	vld.idx.msk [tilespmem:v47+s19+$0x0], $0xffff  }
0x82: {  	v49 =	vor.u32 $0x303, v1  }
0x83: {  	v24 =	vld.idx.msk [tilespmem:v48+s19+$0x0], $0xffff  }
0x84: {  	v50 =	vor.u32 $0x304, v1  }
0x85: {  	v23 =	vld.idx.msk [tilespmem:v23+s19+$0x0], $0xffff  }
0x86: {  	v51 =	vor.u32 $0x305, v1;
	v25 =	vadd.f32 $0.0e+00, v25  }
0x87: {  	v26 =	vld.idx.msk [tilespmem:v49+s19+$0x0], $0xffff  }
0x88: {  	v52 =	vor.u32 $0x306, v1;
	v24 =	vadd.f32 v24, v25  }
0x89: {  	v27 =	vld.idx.msk [tilespmem:v50+s19+$0x0], $0xffff  }
0x8a: {  	v53 =	vor.u32 $0x307, v1;
	v23 =	vadd.f32 v23, v24  }
0x8b: {  	v28 =	vld.idx.msk [tilespmem:v51+s19+$0x0], $0xffff  }
0x8c: {  	v54 =	vor.u32 $0x308, v1;
	v23 =	vadd.f32 v26, v23  }
0x8d: {  	v25 =	vld.idx.msk [tilespmem:v52+s19+$0x0], $0xffff  }
0x8e: {  	v55 =	vor.u32 $0x309, v1;
	v23 =	vadd.f32 v27, v23  }
0x8f: {  	v24 =	vld.idx.msk [tilespmem:v53+s19+$0x0], $0xffff  }
0x90: {  	v56 =	vor.u32 $0x30A, v1;
	v23 =	vadd.f32 v28, v23  }
0x91: {  	v26 =	vld.idx.msk [tilespmem:v54+s19+$0x0], $0xffff  }
0x92: {  	v57 =	vor.u32 $0x30B, v1;
	v23 =	vadd.f32 v25, v23  }
0x93: {  	v27 =	vld.idx.msk [tilespmem:v55+s19+$0x0], $0xffff  }
0x94: {  	v58 =	vor.u32 $0x30C, v1;
	v23 =	vadd.f32 v24, v23  }
0x95: {  	v28 =	vld.idx.msk [tilespmem:v56+s19+$0x0], $0xffff  }
0x96: {  	v59 =	vor.u32 $0x30D, v1;
	v23 =	vadd.f32 v26, v23  }
0x97: {  	v25 =	vld.idx.msk [tilespmem:v57+s19+$0x0], $0xffff  }
0x98: {  	v60 =	vor.u32 $0x30E, v1;
	v23 =	vadd.f32 v27, v23  }
0x99: {  	v24 =	vld.idx.msk [tilespmem:v58+s19+$0x0], $0xffff  }
0x9a: {  	v61 =	vor.u32 $0x30F, v1;
	v23 =	vadd.f32 v28, v23  }
0x9b: {  	v26 =	vld.idx.msk [tilespmem:v59+s19+$0x0], $0xffff  }
0x9c: {  	v23 =	vadd.f32 v25, v23  }
0x9d: {  	v62 =	vld.idx.msk [tilespmem:v60+s19+$0x0], $0xffff  }
0x9e: {  	v23 =	vadd.f32 v24, v23  }
0x9f: {  	v63 =	vld.idx.msk [tilespmem:v61+s19+$0x0], $0xffff  }
0xa0: {  	v23 =	vadd.f32 v26, v23;
	_ =	sdelay $0x1  }
0xa1: {  	v23 =	vadd.f32 v62, v23;
	_ =	sdelay $0x1  }
0xa2: {  	v23 =	vadd.f32 v63, v23  }
0xa3: {  	s7 =	rddreg [dreg:$0x3]  }
0xa4: {  	s8 =	simm.s32 $0x40;
	s9 =	simm.s32 $0x102A0;
	s10 =	simm.s32 $0x10260;
	[tilespmem:$0x10290] =	vst v23  }
0xa5: {  	[spmem:s7] =	stream.indirect.scatter.add.f32 [tilespmem:s10], [sflag:$0x9], $0x1, s9, s8, $0xb8;
	[tilespmem:$0x102E8] =	vst v63  }
0xa6: {  	s10 =	simm.s32 $0x9  }
0xa7: {  	_ =	swait.ge [sflag:s10], $0x40  }
0xa8: {  	[sflag:s10] =	ssyncset.done $0x0  }
0xa9: {  	[sflag:s10] =	ssyncadd.s32 $0xFFFFFFC0  }
0xaa: {  	[bflag:$0x0] =	sbarrier.arrive $0xFFFF  }
0xab: {  	s7 =	sshrl.u32 @!p0 s7, $0x3;
	s8 =	simm.s32 @!p0 $0x1C09;
	s9 =	rddreg [dreg:$0xc]  }
0xac: {  	[hbm:s9], [sflag:s8] =	dma.local @!p0 [spmem:s7], $0x8  }
0xad: {  	s7 =	simm.s32 @!p0 $0x9  }
0xae: {  	_ =	swait.ge @!p0 [sflag:s7], $0x8  }
0xaf: {  	s8 =	rddreg [dreg:$0xe]  }
0xb0: {  	s11 =	rddreg [dreg:$0xd];
	s9 =	sadd.s32 $0x1, s8  }
0xb1: {  	p1 =	sne.s32 s9, s11  }
.Ltmp1:
0xb2: {  	_ = 	snop;
	(pc) =	sbr.rel @!p1 .LBB2_14-.Ltmp1, $3  }
0xb3: {  	_ =	sdelay $0x1  }
0xb4: {  	[sflag:s7] =	ssyncset.done @!p0 $0x0  }
0xb5: {  	[sflag:s7] =	ssyncadd.s32 @!p0 $0xFFFFFFF8  }
.LBB2_1:
0xb6: {  	[dreg:$0xe] =	wrdreg s9  }
0xb7: {  	s7 =	rddreg [dreg:$0x5]  }
0xb8: {  	[tilespmem:s18], [sflag:$0x9] =	stream.linear.gather [hbm4b:s7+s3], $0x23A0, $0x38;
	[tilespmem:$0x102E8] =	vst v63  }
0xb9: {  	_ =	swait.ge [sflag:s10], $0x23A0  }
0xba: {  	[sflag:s10] =	ssyncset.done $0x0  }
0xbb: {  	[sflag:s10] =	ssyncadd.s32 $0xFFFFDC60  }
0xbc: {  	[tilespmem:$0x102A0] =	vst v0  }
0xbd: {  	[tilespmem:$0x10260] =	vst v2  }
0xbe: {  	[tilespmem:$0x102B0] =	vst v3  }
0xbf: {  	[tilespmem:$0x10270] =	vst v2  }
0xc0: {  	[tilespmem:$0x102C0] =	vst v4  }
0xc1: {  	[tilespmem:$0x10280] =	vst v2  }
0xc2: {  	[tilespmem:$0x102D0] =	vst v5  }
0xc3: {  	s8 =	simm.s32 $0x0;
	s7 =	simm.s32 $0x40;
	[tilespmem:$0x10290] =	vst v2  }
.LBB2_2:
0xc4: {  	p1 =	sne.s32 s7, $0xFC0;
	[tilespmem:s8+$0xDAC0] =	vst v2;
	s8 =	smov.u32 s7;
	s7 =	sadd.s32 $0x40, s7  }
.Ltmp2:
0xc5: {  	(pc) =	sbr.rel @p1 .LBB2_2-.Ltmp2, $2  }
0xc6: {  	_ =	sdelay $0x2  }
0xc7: {  	s8 =	sshra.s32 s8, $0x2  }
0xc8: {  	[tilespmem:s8+$0xDAC0] =	vst v2;
	s7 =	simm.s32 @!p0 $0x10260;
	s8 =	rddreg [dreg:$0x3]  }
0xc9: {  	[spmem:s8] =	stream.linear.scatter @!p0 [tilespmem:s7], [sflag:$0x9], $0x40, $0x38;
	[tilespmem:$0x102E8] =	vst v63  }
0xca: {  	s7 =	simm.s32 @!p0 $0x9  }
0xcb: {  	_ =	swait.ge @!p0 [sflag:s7], $0x40  }
0xcc: {  	[sflag:s7] =	ssyncset.done @!p0 $0x0  }
0xcd: {  	[sflag:s7] =	ssyncadd.s32 @!p0 $0xFFFFFFC0  }
0xce: {  	[bflag:$0x0] =	sbarrier.arrive $0xFFFF  }
0xcf: {  	s7 =	simm.s32 $0x0;
	s10 =	rddreg [dreg:$0x6]  }
0xd0: {  	[tilespmem:s7], [sflag:$0x5] =	stream.linear.gather [hbm4b:s10+s7], $0x320, $0x38;
	[tilespmem:$0x102E8] =	vst v63  }
0xd1: {  	s9 =	simm.s32 $0x320;
	s11 =	rddreg [dreg:$0x7]  }
0xd2: {  	[tilespmem:s9], [sflag:$0x5] =	stream.linear.gather [hbm4b:s11+s7], $0x320, $0x38;
	[tilespmem:$0x102E8] =	vst v63  }
0xd3: {  	_ =	swait.ge [sflag:s21], $0x320  }
0xd4: {  	[sflag:s21] =	ssyncset.done $0x0  }
0xd5: {  	[sflag:s21] =	ssyncadd.s32 $0xFFFFFCE0  }
0xd6: {  	_ =	swait.ge [sflag:s21], $0x320  }
0xd7: {  	[sflag:s21] =	ssyncset.done $0x0  }
0xd8: {  	[sflag:s21] =	ssyncadd.s32 $0xFFFFFCE0  }
0xd9: {  	[tilespmem:s23], [sflag:$0x1] =	stream.indirect.gather [hbm4b:s4+s22], $0x10, s7, s22, $0xb8;
	[tilespmem:$0x102E8] =	vst v63  }
0xda: {  	_ = 	snop  }
0xdb: {  	[tilespmem:s24], [sflag:$0x2] =	stream.indirect.gather [hbm4b:s4+s22], $0x10, s9, s22, $0xb8;
	[tilespmem:$0x102E8] =	vst v63  }
0xdc: {  	s9 =	simm.s32 $0x17C0  }
0xdd: {  	[tilespmem:s9], [sflag:$0x1] =	stream.indirect.gather [hbm4b:s4+s22], $0x10, s22, s22, $0xb8;
	[tilespmem:$0x102E8] =	vst v63  }
0xde: {  	s10 =	simm.s32 $0x370;
	s11 =	simm.s32 $0x49C0  }
0xdf: {  	[tilespmem:s11], [sflag:$0x2] =	stream.indirect.gather [hbm4b:s4+s22], $0x10, s10, s22, $0xb8;
	[tilespmem:$0x102E8] =	vst v63  }
0xe0: {  	s10 =	simm.s32 $0xA0;
	s11 =	simm.s32 $0x1CC0  }
0xe1: {  	[tilespmem:s11], [sflag:$0x1] =	stream.indirect.gather [hbm4b:s4+s22], $0x10, s10, s22, $0xb8;
	[tilespmem:$0x102E8] =	vst v63  }
0xe2: {  	s10 =	simm.s32 $0x3C0;
	s11 =	simm.s32 $0x4EC0  }
0xe3: {  	[tilespmem:s11], [sflag:$0x2] =	stream.indirect.gather [hbm4b:s4+s22], $0x10, s10, s22, $0xb8;
	[tilespmem:$0x102E8] =	vst v63  }
0xe4: {  	s10 =	simm.s32 $0xF0;
	s11 =	simm.s32 $0x21C0  }
0xe5: {  	[tilespmem:s11], [sflag:$0x1] =	stream.indirect.gather [hbm4b:s4+s22], $0x10, s10, s22, $0xb8;
	[tilespmem:$0x102E8] =	vst v63  }
0xe6: {  	s10 =	simm.s32 $0x410;
	s11 =	simm.s32 $0x53C0  }
0xe7: {  	[tilespmem:s11], [sflag:$0x2] =	stream.indirect.gather [hbm4b:s4+s22], $0x10, s10, s22, $0xb8;
	[tilespmem:$0x102E8] =	vst v63  }
0xe8: {  	s10 =	simm.s32 $0x140;
	s11 =	simm.s32 $0x26C0  }
0xe9: {  	[tilespmem:s11], [sflag:$0x1] =	stream.indirect.gather [hbm4b:s4+s22], $0x10, s10, s22, $0xb8;
	[tilespmem:$0x102E8] =	vst v63  }
0xea: {  	s10 =	simm.s32 $0x460;
	s11 =	simm.s32 $0x58C0  }
0xeb: {  	[tilespmem:s11], [sflag:$0x2] =	stream.indirect.gather [hbm4b:s4+s22], $0x10, s10, s22, $0xb8;
	[tilespmem:$0x102E8] =	vst v63  }
0xec: {  	s10 =	simm.s32 $0x190;
	s11 =	simm.s32 $0x2BC0  }
0xed: {  	[tilespmem:s11], [sflag:$0x1] =	stream.indirect.gather [hbm4b:s4+s22], $0x10, s10, s22, $0xb8;
	[tilespmem:$0x102E8] =	vst v63  }
0xee: {  	s10 =	simm.s32 $0x4B0;
	s11 =	simm.s32 $0x5DC0  }
0xef: {  	[tilespmem:s11], [sflag:$0x2] =	stream.indirect.gather [hbm4b:s4+s22], $0x10, s10, s22, $0xb8;
	[tilespmem:$0x102E8] =	vst v63  }
0xf0: {  	s10 =	simm.s32 $0x1E0;
	s11 =	simm.s32 $0x30C0  }
0xf1: {  	[tilespmem:s11], [sflag:$0x1] =	stream.indirect.gather [hbm4b:s4+s22], $0x10, s10, s22, $0xb8;
	[tilespmem:$0x102E8] =	vst v63  }
0xf2: {  	s10 =	simm.s32 $0x500;
	s11 =	simm.s32 $0x62C0  }
0xf3: {  	[tilespmem:s11], [sflag:$0x2] =	stream.indirect.gather [hbm4b:s4+s22], $0x10, s10, s22, $0xb8;
	[tilespmem:$0x102E8] =	vst v63  }
0xf4: {  	s10 =	simm.s32 $0x230;
	s11 =	simm.s32 $0x35C0  }
0xf5: {  	[tilespmem:s11], [sflag:$0x1] =	stream.indirect.gather [hbm4b:s4+s22], $0x10, s10, s22, $0xb8;
	[tilespmem:$0x102E8] =	vst v63  }
0xf6: {  	s10 =	simm.s32 $0x550;
	s11 =	simm.s32 $0x67C0  }
0xf7: {  	[tilespmem:s11], [sflag:$0x2] =	stream.indirect.gather [hbm4b:s4+s22], $0x10, s10, s22, $0xb8;
	[tilespmem:$0x102E8] =	vst v63  }
0xf8: {  	s10 =	simm.s32 $0x280;
	s11 =	simm.s32 $0x3AC0  }
0xf9: {  	[tilespmem:s11], [sflag:$0x1] =	stream.indirect.gather [hbm4b:s4+s22], $0x10, s10, s22, $0xb8;
	[tilespmem:$0x102E8] =	vst v63  }
0xfa: {  	s10 =	simm.s32 $0x5A0;
	s11 =	simm.s32 $0x6CC0  }
0xfb: {  	[tilespmem:s11], [sflag:$0x2] =	stream.indirect.gather [hbm4b:s4+s22], $0x10, s10, s22, $0xb8;
	[tilespmem:$0x102E8] =	vst v63  }
0xfc: {  	s10 =	simm.s32 $0x2D0;
	s11 =	simm.s32 $0x3FC0  }
0xfd: {  	[tilespmem:s11], [sflag:$0x1] =	stream.indirect.gather [hbm4b:s4+s22], $0x10, s10, s22, $0xb8;
	[tilespmem:$0x102E8] =	vst v63  }
0xfe: {  	s10 =	simm.s32 $0x5F0;
	s11 =	simm.s32 $0x71C0  }
0xff: {  	[tilespmem:s11], [sflag:$0x2] =	stream.indirect.gather [hbm4b:s4+s22], $0x10, s10, s22, $0xb8;
	[tilespmem:$0x102E8] =	vst v63  }
0x100: {  	s10 =	rddreg [dreg:$0x8];
	s11 =	simm.s32 $0x640  }
0x101: {  	[tilespmem:s11], [sflag:$0x7] =	stream.linear.gather [hbm4b:s10+s7], $0x320, $0x38;
	[tilespmem:$0x102E8] =	vst v63  }
0x102: {  	s9 =	rddreg [dreg:$0x9]  }
0x103: {  	[tilespmem:s25], [sflag:$0x6] =	stream.linear.gather [hbm4b:s9+s7], $0x320, $0x38;
	[tilespmem:$0x102E8] =	vst v63  }
0x104: {  	s10 =	rddreg [dreg:$0xa]  }
0x105: {  	[tilespmem:s26], [sflag:$0x6] =	stream.linear.gather [hbm4b:s10+s7], $0x320, $0x38;
	[tilespmem:$0x102E8] =	vst v63  }
0x106: {  	s11 =	rddreg [dreg:$0xb]  }
0x107: {  	[tilespmem:s12], [sflag:$0x8] =	stream.linear.gather [hbm4b:s11+s7], $0x320, $0x38;
	[tilespmem:$0x102E8] =	vst v63  }
.LBB2_4:
0x108: {  	_ =	swait.ge [sflag:s29], $0x320  }
0x109: {  	[sflag:s29] =	ssyncset.done $0x0  }
0x10a: {  	[sflag:s29] =	ssyncadd.s32 $0xFFFFFCE0  }
0x10b: {  	_ =	swait.ge [sflag:s29], $0x320  }
0x10c: {  	[sflag:s29] =	ssyncset.done $0x0  }
0x10d: {  	[sflag:s29] =	ssyncadd.s32 $0xFFFFFCE0  }
0x10e: {  	[tilespmem:s30], [sflag:$0x3] =	stream.indirect.gather [hbm4b:s4+s22], $0x10, s25, s22, $0xb8;
	[tilespmem:$0x102E8] =	vst v63  }
0x10f: {  	_ = 	snop  }
0x110: {  	[tilespmem:s31], [sflag:$0x4] =	stream.indirect.gather [hbm4b:s4+s22], $0x10, s26, s22, $0xb8;
	[tilespmem:$0x102E8] =	vst v63  }
0x111: {  	s8 =	simm.s32 $0x9B0;
	s9 =	simm.s32 $0x7BC0  }
0x112: {  	[tilespmem:s9], [sflag:$0x3] =	stream.indirect.gather [hbm4b:s4+s22], $0x10, s8, s22, $0xb8;
	[tilespmem:$0x102E8] =	vst v63  }
0x113: {  	s10 =	simm.s32 $0xCD0;
	s11 =	simm.s32 $0xADC0  }
0x114: {  	[tilespmem:s11], [sflag:$0x4] =	stream.indirect.gather [hbm4b:s4+s22], $0x10, s10, s22, $0xb8;
	[tilespmem:$0x102E8] =	vst v63  }
0x115: {  	s10 =	simm.s32 $0xA00;
	s11 =	simm.s32 $0x80C0  }
0x116: {  	[tilespmem:s11], [sflag:$0x3] =	stream.indirect.gather [hbm4b:s4+s22], $0x10, s10, s22, $0xb8;
	[tilespmem:$0x102E8] =	vst v63  }
0x117: {  	s10 =	simm.s32 $0xD20;
	s11 =	simm.s32 $0xB2C0  }
0x118: {  	[tilespmem:s11], [sflag:$0x4] =	stream.indirect.gather [hbm4b:s4+s22], $0x10, s10, s22, $0xb8;
	[tilespmem:$0x102E8] =	vst v63  }
0x119: {  	s10 =	simm.s32 $0xA50;
	s11 =	simm.s32 $0x85C0  }
0x11a: {  	[tilespmem:s11], [sflag:$0x3] =	stream.indirect.gather [hbm4b:s4+s22], $0x10, s10, s22, $0xb8;
	[tilespmem:$0x102E8] =	vst v63  }
0x11b: {  	s10 =	simm.s32 $0xD70;
	s11 =	simm.s32 $0xB7C0  }
0x11c: {  	[tilespmem:s11], [sflag:$0x4] =	stream.indirect.gather [hbm4b:s4+s22], $0x10, s10, s22, $0xb8;
	[tilespmem:$0x102E8] =	vst v63  }
0x11d: {  	s10 =	simm.s32 $0xAA0;
	s11 =	simm.s32 $0x8AC0  }
0x11e: {  	[tilespmem:s11], [sflag:$0x3] =	stream.indirect.gather [hbm4b:s4+s22], $0x10, s10, s22, $0xb8;
	[tilespmem:$0x102E8] =	vst v63  }
0x11f: {  	s10 =	simm.s32 $0xDC0;
	s11 =	simm.s32 $0xBCC0  }
0x120: {  	[tilespmem:s11], [sflag:$0x4] =	stream.indirect.gather [hbm4b:s4+s22], $0x10, s10, s22, $0xb8;
	[tilespmem:$0x102E8] =	vst v63  }
0x121: {  	s10 =	simm.s32 $0xAF0;
	s11 =	simm.s32 $0x8FC0  }
0x122: {  	[tilespmem:s11], [sflag:$0x3] =	stream.indirect.gather [hbm4b:s4+s22], $0x10, s10, s22, $0xb8;
	[tilespmem:$0x102E8] =	vst v63  }
0x123: {  	s10 =	simm.s32 $0xE10;
	s11 =	simm.s32 $0xC1C0  }
0x124: {  	[tilespmem:s11], [sflag:$0x4] =	stream.indirect.gather [hbm4b:s4+s22], $0x10, s10, s22, $0xb8;
	[tilespmem:$0x102E8] =	vst v63  }
0x125: {  	s10 =	simm.s32 $0xB40;
	s11 =	simm.s32 $0x94C0  }
0x126: {  	[tilespmem:s11], [sflag:$0x3] =	stream.indirect.gather [hbm4b:s4+s22], $0x10, s10, s22, $0xb8;
	[tilespmem:$0x102E8] =	vst v63  }
0x127: {  	s10 =	simm.s32 $0xE60;
	s11 =	simm.s32 $0xC6C0  }
0x128: {  	[tilespmem:s11], [sflag:$0x4] =	stream.indirect.gather [hbm4b:s4+s22], $0x10, s10, s22, $0xb8;
	[tilespmem:$0x102E8] =	vst v63  }
0x129: {  	s10 =	simm.s32 $0xB90;
	s11 =	simm.s32 $0x99C0  }
0x12a: {  	[tilespmem:s11], [sflag:$0x3] =	stream.indirect.gather [hbm4b:s4+s22], $0x10, s10, s22, $0xb8;
	[tilespmem:$0x102E8] =	vst v63  }
0x12b: {  	s10 =	simm.s32 $0xEB0;
	s11 =	simm.s32 $0xCBC0  }
0x12c: {  	[tilespmem:s11], [sflag:$0x4] =	stream.indirect.gather [hbm4b:s4+s22], $0x10, s10, s22, $0xb8;
	[tilespmem:$0x102E8] =	vst v63  }
0x12d: {  	p1 =	seq.s32 s7, $0x7C;
	s10 =	simm.s32 $0xBE0;
	s11 =	simm.s32 $0x9EC0  }
0x12e: {  	[tilespmem:s11], [sflag:$0x3] =	stream.indirect.gather [hbm4b:s4+s22], $0x10, s10, s22, $0xb8;
	[tilespmem:$0x102E8] =	vst v63  }
0x12f: {  	s9 =	simm.s32 $0xF00;
	s8 =	smul.u32 @!p1 $0x640, s7;
	s10 =	simm.s32 $0xD0C0  }
0x130: {  	[tilespmem:s10], [sflag:$0x4] =	stream.indirect.gather [hbm4b:s4+s22], $0x10, s9, s22, $0xb8;
	[tilespmem:$0x102E8] =	vst v63  }
0x131: {  	s8 =	sadd.s32 @!p1 s8, s14;
	s11 =	simm.s32 $0xC30;
	s10 =	simm.s32 $0xA3C0  }
0x132: {  	[tilespmem:s10], [sflag:$0x3] =	stream.indirect.gather [hbm4b:s4+s22], $0x10, s11, s22, $0xb8;
	[tilespmem:$0x102E8] =	vst v63  }
0x133: {  	s9 =	smulhi.u32 @!p1 $0x66666667, s8;
	s10 =	sshra.s32 @!p1 s8, $0x1F  }
0x134: {  	s11 =	simm.s32 $0xF50;
	s10 =	smul.u32 @!p1 $0x66666667, s10  }
0x135: {  	[tilespmem:s13], [sflag:$0x4] =	stream.indirect.gather [hbm4b:s4+s22], $0x10, s11, s22, $0xb8;
	[tilespmem:$0x102E8] =	vst v63  }
0x136: {  	s9 =	sadd.s32 @!p1 s10, s9  }
0x137: {  	s10 =	sshrl.u32 @!p1 s9, $0x1F;
	s9 =	sshra.s32 @!p1 s9, $0x5  }
0x138: {  	s9 =	sadd.s32 @!p1 s10, s9  }
0x139: {  	s10 =	smul.u32 @!p1 $0xFFFFFFB0, s9  }
0x13a: {  	s11 =	ssub.s32 @!p1 $0x0, s8  }
0x13b: {  	p2 =	slt.s32 @!p1 s8, $0x1;
	p3 =	sne.s32 @!p1 s10, s11  }
0x13c: {  	p2 =	por @!p1 !p2, !p3  }
0x13d: {  	p2 =	por @!p1 !p2, !p2  }
0x13e: {  	s8 =	simm.s32 @!p1 $0x1;
	p2 =	por !p2, p1  }
0x13f: {  	_ =	swait.ge [sflag:s16], $0x3200;
	s8 =	simm.s32 @p2 $0x0  }
0x140: {  	[sflag:s16] =	ssyncset.done $0x0;
	s8 =	ssub.s32 @!p1 s9, s8  }
0x141: {  	[sflag:s16] =	ssyncadd.s32 $0xFFFFCE00;
	s8 =	smul.u32 @!p1 $0x50, s8  }
0x142: {  	_ =	swait.ge [sflag:s17], $0x3200  }
0x143: {  	[sflag:s17] =	ssyncset.done $0x0;
	s11 =	simm.s32 $0x0;
	s8 =	sshrl.u32 @!p1 s8, $0x3  }
0x144: {  	[sflag:s17] =	ssyncadd.s32 $0xFFFFCE00;
	v23 =	vmov s11;
	s9 =	simm.s32 @!p1 $0x0;
	s10 =	sadd.s32 @!p1 s5, s8  }
0x145: {  	v23 =	vshll.u32 v23, $0x4;
	[tilespmem:s9], [sflag:$0x5] =	stream.linear.gather @!p1 [hbm4b:s10+s9], $0x320, $0x38;
	[tilespmem:$0x102E8] =	vst v63  }
0x146: {  	v23 =	vor.u32 v1, v23;
	s8 =	sadd.s32 @!p1 s6, s8;
	s10 =	simm.s32 @!p1 $0x320  }
0x147: {  	[tilespmem:s10], [sflag:$0x5] =	stream.linear.gather @!p1 [hbm4b:s8+s9], $0x320, $0x38;
	[tilespmem:$0x102E8] =	vst v63  }
0x148: {  	v24 =	vor.u32 $0x1, v23;
	_ =	swait.ge [sflag:s2], $0x320  }
0x149: {  	[sflag:s2] =	ssyncset.done $0x0  }
0x14a: {  	v25 =	vor.u32 $0x2, v23;
	[sflag:s2] =	ssyncadd.s32 $0xFFFFFCE0  }
0x14b: {  	v26 =	vld.idx.msk [tilespmem:v23+s23+$0x0], $0xffff  }
0x14c: {  	v27 =	vld.idx.msk [tilespmem:v23+s24+$0x0], $0xffff  }
0x14d: {  	v28 =	vld.idx.msk [tilespmem:v24+s23+$0x0], $0xffff  }
0x14e: {  	v24 =	vld.idx.msk [tilespmem:v24+s24+$0x0], $0xffff  }
0x14f: {  	v29 =	vld.idx.msk [tilespmem:v25+s23+$0x0], $0xffff  }
0x150: {  	v25 =	vld.idx.msk [tilespmem:v25+s24+$0x0], $0xffff;
	_ =	sdelay $0x2  }
0x151: {  	v26 =	vsub.f32 v27, v26;
	v24 =	vsub.f32 v24, v28;
	_ =	sdelay $0x1  }
0x152: {  	v25 =	vsub.f32 v25, v29;
	v26 =	vmul.f32 v26, v26;
	v24 =	vmul.f32 v24, v24;
	_ =	sdelay $0x1  }
0x153: {  	v25 =	vmul.f32 v25, v25;
	v24 =	vadd.f32 v24, v26;
	_ =	sdelay $0x1  }
0x154: {  	v24 =	vadd.f32 v25, v24;
	_ =	sdelay $0x1  }
0x155: {  	v24 =	vmul.f32 $3.571064230e+00, v24;
	_ =	sdelay $0x1  }
0x156: {  	v24 =	vadd.f32 $9.999999970e-07, v24;
	_ =	sdelay $0x1  }
0x157: {  	(erf) = vrcp.f32 v24;
	_ =	sdelay $0x8  }
0x158: {  	v25 =	vpop (erf)  }
0x159: {  	v25 =	vmul.f32 $9.000000000e+00, v25  }
0x15a: {  	v23 =	vor.u32 $0x3, v23  }
0x15b: {  	v26 =	vmul.f32 v25, v25;
	_ =	sdelay $0x1  }
0x15c: {  	v27 =	vmul.f32 v26, v26;
	_ =	sdelay $0x1  }
0x15d: {  	v59 =	vld.idx.msk [tilespmem:v23+s23+$0x0], $0xffff;
	v26 =	vmul.f32 v27, v26  }
0x15e: {  	v23 =	vld.idx.msk [tilespmem:v23+s24+$0x0], $0xffff  }
0x15f: {  	v25 =	vmul.f32 v26, v25;
	_ =	sdelay $0x1  }
0x160: {  	v26 =	vmul.f32 v24, v24;
	v25 =	vmul.f32 $6.000000000e+00, v25  }
0x161: {  	v27 =	vmul.u32 $0x60, v59  }
0x162: {  	v24 =	vmul.f32 v26, v24;
	v26 =	vand.u32 $0xFFFFFFF8, v23;
	v25 =	vadd.f32 $1.000000000e+00, v25  }
0x163: {  	v23 =	vand.u32 $0x7, v23;
	v26 =	vadd.s32 v27, v26  }
0x164: {  	v23 =	vor.u32 v23, v26;
	v24 =	vmul.f32 v25, v24;
	_ =	sdelay $0x1  }
0x165: {  	s8 =	simm.s32 $0x650;
	(erf) = vrcp.f32 v24  }
0x166: {  	v24 =	vld [tilespmem:s8+$0xFFFFFFF0];
	_ =	sdelay $0x1  }
0x167: {  	v23 =	vld.idx.msk [tilespmem:v23+s18+$0x0], $0xffff;
	_ =	sdelay $0x1  }
0x168: {  	s10 =	simm.s32 $0x10  }
0x169: {  	v25 =	vmov s10;
	v24 =	vshll.u32 v24, $0x4  }
0x16a: {  	v25 =	vshll.u32 v25, $0x4;
	v24 =	vor.u32 v0, v24  }
0x16b: {  	v25 =	vor.u32 v1, v25;
	v23 =	vmul.f32 $-1.360569290e+01, v23  }
0x16c: {  	v26 =	vor.u32 $0x1, v25;
	v27 =	vpop (erf)  }
0x16d: {  	v23 =	vmul.f32 v27, v23;
	_ =	sdelay $0x1  }
0x16e: {  	[tilespmem:v24+s19+$0x0] =	vst.idx.add.f32.msk $0xffff, v23;
	v23 =	vor.u32 $0x2, v25  }
0x16f: {  	v24 =	vld.idx.msk [tilespmem:v25+s23+$0x0], $0xffff  }
0x170: {  	v27 =	vld.idx.msk [tilespmem:v26+s23+$0x0], $0xffff  }
0x171: {  	v26 =	vld.idx.msk [tilespmem:v26+s24+$0x0], $0xffff  }
0x172: {  	v60 =	vld.idx.msk [tilespmem:v25+s24+$0x0], $0xffff  }
0x173: {  	v61 =	vld.idx.msk [tilespmem:v23+s24+$0x0], $0xffff  }
0x174: {  	v23 =	vld.idx.msk [tilespmem:v23+s23+$0x0], $0xffff;
	_ =	sdelay $0x2  }
0x175: {  	v26 =	vsub.f32 v26, v27;
	v24 =	vsub.f32 v60, v24;
	_ =	sdelay $0x1  }
0x176: {  	v24 =	vmul.f32 v24, v24;
	v26 =	vmul.f32 v26, v26;
	v23 =	vsub.f32 v61, v23;
	_ =	sdelay $0x1  }
0x177: {  	v24 =	vadd.f32 v26, v24;
	v23 =	vmul.f32 v23, v23;
	_ =	sdelay $0x1  }
0x178: {  	v23 =	vadd.f32 v23, v24;
	_ =	sdelay $0x1  }
0x179: {  	v23 =	vmul.f32 $3.571064230e+00, v23;
	_ =	sdelay $0x1  }
0x17a: {  	v23 =	vadd.f32 $9.999999970e-07, v23;
	_ =	sdelay $0x1  }
0x17b: {  	(erf) = vrcp.f32 v23;
	_ =	sdelay $0x8  }
0x17c: {  	v24 =	vor.u32 $0x3, v25;
	v25 =	vpop (erf)  }
0x17d: {  	v25 =	vmul.f32 $9.000000000e+00, v25;
	_ =	sdelay $0x1  }
0x17e: {  	v26 =	vmul.f32 v25, v25;
	_ =	sdelay $0x1  }
0x17f: {  	v27 =	vld.idx.msk [tilespmem:v24+s23+$0x0], $0xffff;
	v62 =	vmul.f32 v26, v26  }
0x180: {  	v24 =	vld.idx.msk [tilespmem:v24+s24+$0x0], $0xffff  }
0x181: {  	v26 =	vmul.f32 v62, v26;
	_ =	sdelay $0x1  }
0x182: {  	v25 =	vmul.f32 v26, v25  }
0x183: {  	v26 =	vmul.u32 $0x60, v27  }
0x184: {  	v63 =	vand.u32 $0xFFFFFFF8, v24;
	v27 =	vmul.f32 v23, v23;
	v25 =	vmul.f32 $6.000000000e+00, v25  }
0x185: {  	v24 =	vand.u32 $0x7, v24;
	v26 =	vadd.s32 v26, v63  }
0x186: {  	v23 =	vmul.f32 v27, v23;
	v26 =	vor.u32 v24, v26;
	v24 =	vadd.f32 $1.000000000e+00, v25;
	_ =	sdelay $0x1  }
0x187: {  	v23 =	vmul.f32 v24, v23;
	_ =	sdelay $0x1  }
0x188: {  	(erf) = vrcp.f32 v23  }
0x189: {  	v24 =	vld [tilespmem:s8+$0x0];
	_ =	sdelay $0x1  }
0x18a: {  	s11 =	simm.s32 $0x20;
	v23 =	vld.idx.msk [tilespmem:v26+s18+$0x0], $0xffff  }
0x18b: {  	s9 =	simm.s32 $0x30;
	s10 =	simm.s32 $0x50;
	v25 =	vmov s11  }
.LBB2_5:
0x18c: {  	p2 =	sne.s32 s10, $0x310  }
0x18d: {  	v25 =	vshll.u32 v25, $0x4;
	v24 =	vshll.u32 v24, $0x4;
	s8 =	sadd.s32 $0x20, s8;
	s11 =	smov.u32 s10;
	s10 =	sadd.s32 $0x20, s10  }
0x18e: {  	v25 =	vor.u32 v1, v25;
	v24 =	vor.u32 v0, v24  }
0x18f: {  	v23 =	vmul.f32 $-1.360569290e+01, v23;
	v26 =	vor.u32 $0x1, v25;
	v27 =	vor.u32 $0x2, v25  }
0x190: {  	v28 =	vpop (erf)  }
0x191: {  	v23 =	vmul.f32 v28, v23;
	_ =	sdelay $0x1  }
0x192: {  	[tilespmem:v24+s19+$0x0] =	vst.idx.add.f32.msk $0xffff, v23  }
0x193: {  	v23 =	vld.idx.msk [tilespmem:v25+s23+$0x0], $0xffff  }
0x194: {  	v24 =	vld.idx.msk [tilespmem:v25+s24+$0x0], $0xffff  }
0x195: {  	v28 =	vld.idx.msk [tilespmem:v26+s23+$0x0], $0xffff  }
0x196: {  	v26 =	vld.idx.msk [tilespmem:v26+s24+$0x0], $0xffff  }
0x197: {  	v29 =	vld.idx.msk [tilespmem:v27+s23+$0x0], $0xffff  }
0x198: {  	v27 =	vld.idx.msk [tilespmem:v27+s24+$0x0], $0xffff;
	_ =	sdelay $0x1  }
0x199: {  	v23 =	vsub.f32 v24, v23;
	_ =	sdelay $0x1  }
0x19a: {  	v24 =	vsub.f32 v26, v28;
	_ =	sdelay $0x1  }
0x19b: {  	v23 =	vmul.f32 v23, v23;
	v26 =	vsub.f32 v27, v29;
	v24 =	vmul.f32 v24, v24;
	_ =	sdelay $0x1  }
0x19c: {  	v23 =	vadd.f32 v24, v23;
	v24 =	vmul.f32 v26, v26;
	_ =	sdelay $0x1  }
0x19d: {  	v23 =	vadd.f32 v24, v23;
	_ =	sdelay $0x1  }
0x19e: {  	v23 =	vmul.f32 $3.571064230e+00, v23;
	_ =	sdelay $0x1  }
0x19f: {  	v23 =	vadd.f32 $9.999999970e-07, v23;
	_ =	sdelay $0x1  }
0x1a0: {  	v24 =	vmul.f32 v23, v23;
	(erf) = vrcp.f32 v23;
	_ =	sdelay $0x1  }
0x1a1: {  	v23 =	vmul.f32 v24, v23;
	_ =	sdelay $0x6  }
0x1a2: {  	v24 =	vor.u32 $0x3, v25;
	v25 =	vpop (erf)  }
0x1a3: {  	v25 =	vmul.f32 $9.000000000e+00, v25;
	_ =	sdelay $0x1  }
0x1a4: {  	v26 =	vmul.f32 v25, v25;
	_ =	sdelay $0x1  }
0x1a5: {  	v27 =	vld.idx.msk [tilespmem:v24+s23+$0x0], $0xffff;
	v28 =	vmul.f32 v26, v26  }
0x1a6: {  	v24 =	vld.idx.msk [tilespmem:v24+s24+$0x0], $0xffff  }
0x1a7: {  	v26 =	vmul.f32 v28, v26;
	_ =	sdelay $0x1  }
0x1a8: {  	v25 =	vmul.f32 v26, v25;
	_ =	sdelay $0x1  }
0x1a9: {  	v26 =	vmul.u32 $0x60, v27;
	v25 =	vmul.f32 $6.000000000e+00, v25  }
0x1aa: {  	v27 =	vand.u32 $0xFFFFFFF8, v24  }
0x1ab: {  	v24 =	vand.u32 $0x7, v24;
	v26 =	vadd.s32 v26, v27;
	v25 =	vadd.f32 $1.000000000e+00, v25  }
0x1ac: {  	v24 =	vor.u32 v24, v26  }
0x1ad: {  	v23 =	vmul.f32 v25, v23;
	_ =	sdelay $0x1  }
0x1ae: {  	(erf) = vrcp.f32 v23  }
0x1af: {  	v23 =	vld [tilespmem:s8+$0xFFFFFFF0]  }
0x1b0: {  	v24 =	vld.idx.msk [tilespmem:v24+s18+$0x0], $0xffff;
	_ =	sdelay $0x3  }
0x1b1: {  	v25 =	vmov s9;
	s9 =	smov.u32 s11;
	v23 =	vshll.u32 v23, $0x4  }
0x1b2: {  	v25 =	vshll.u32 v25, $0x4;
	v23 =	vor.u32 v0, v23  }
0x1b3: {  	v25 =	vor.u32 v1, v25;
	v24 =	vmul.f32 $-1.360569290e+01, v24  }
0x1b4: {  	v26 =	vor.u32 $0x1, v25;
	v27 =	vpop (erf)  }
0x1b5: {  	v24 =	vmul.f32 v27, v24;
	_ =	sdelay $0x1  }
0x1b6: {  	[tilespmem:v23+s19+$0x0] =	vst.idx.add.f32.msk $0xffff, v24;
	v23 =	vor.u32 $0x2, v25  }
0x1b7: {  	v24 =	vld.idx.msk [tilespmem:v25+s23+$0x0], $0xffff  }
0x1b8: {  	v27 =	vld.idx.msk [tilespmem:v26+s23+$0x0], $0xffff  }
0x1b9: {  	v26 =	vld.idx.msk [tilespmem:v26+s24+$0x0], $0xffff  }
0x1ba: {  	v28 =	vld.idx.msk [tilespmem:v25+s24+$0x0], $0xffff  }
0x1bb: {  	v29 =	vld.idx.msk [tilespmem:v23+s24+$0x0], $0xffff  }
0x1bc: {  	v23 =	vld.idx.msk [tilespmem:v23+s23+$0x0], $0xffff;
	_ =	sdelay $0x2  }
0x1bd: {  	v26 =	vsub.f32 v26, v27  }
0x1be: {  	v24 =	vsub.f32 v28, v24;
	_ =	sdelay $0x1  }
0x1bf: {  	v26 =	vmul.f32 v26, v26;
	v23 =	vsub.f32 v29, v23;
	v24 =	vmul.f32 v24, v24;
	_ =	sdelay $0x1  }
0x1c0: {  	v24 =	vadd.f32 v26, v24;
	v23 =	vmul.f32 v23, v23;
	_ =	sdelay $0x1  }
0x1c1: {  	v23 =	vadd.f32 v23, v24;
	_ =	sdelay $0x1  }
0x1c2: {  	v23 =	vmul.f32 $3.571064230e+00, v23;
	_ =	sdelay $0x1  }
0x1c3: {  	v23 =	vadd.f32 $9.999999970e-07, v23;
	_ =	sdelay $0x1  }
0x1c4: {  	v24 =	vmul.f32 v23, v23;
	(erf) = vrcp.f32 v23;
	_ =	sdelay $0x1  }
0x1c5: {  	v23 =	vmul.f32 v24, v23;
	_ =	sdelay $0x6  }
0x1c6: {  	v24 =	vor.u32 $0x3, v25;
	v25 =	vpop (erf)  }
0x1c7: {  	v25 =	vmul.f32 $9.000000000e+00, v25;
	_ =	sdelay $0x1  }
0x1c8: {  	v26 =	vmul.f32 v25, v25;
	_ =	sdelay $0x1  }
0x1c9: {  	v27 =	vld.idx.msk [tilespmem:v24+s23+$0x0], $0xffff;
	v28 =	vmul.f32 v26, v26  }
0x1ca: {  	v24 =	vld.idx.msk [tilespmem:v24+s24+$0x0], $0xffff  }
0x1cb: {  	v26 =	vmul.f32 v28, v26;
	_ =	sdelay $0x1  }
0x1cc: {  	v25 =	vmul.f32 v26, v25;
	_ =	sdelay $0x1  }
0x1cd: {  	v26 =	vmul.u32 $0x60, v27;
	v25 =	vmul.f32 $6.000000000e+00, v25  }
0x1ce: {  	v27 =	vand.u32 $0xFFFFFFF8, v24  }
0x1cf: {  	v24 =	vand.u32 $0x7, v24;
	v26 =	vadd.s32 v26, v27;
	v25 =	vadd.f32 $1.000000000e+00, v25  }
0x1d0: {  	v26 =	vor.u32 v24, v26  }
0x1d1: {  	v23 =	vmul.f32 v25, v23;
	_ =	sdelay $0x1  }
0x1d2: {  	(erf) = vrcp.f32 v23  }
.Ltmp3:
0x1d3: {  	v24 =	vld [tilespmem:s8+$0x0];
	(pc) =	sbr.rel @p2 .LBB2_5-.Ltmp3, $3  }
0x1d4: {  	v23 =	vld.idx.msk [tilespmem:v26+s18+$0x0], $0xffff;
	_ =	sdelay $0x1  }
0x1d5: {  	s11 =	sadd.s32 $0xFFFFFFF0, s9  }
0x1d6: {  	v25 =	vmov s11  }
0x1d7: {  	v24 =	vshll.u32 v24, $0x4  }
0x1d8: {  	v25 =	vshll.u32 v25, $0x4;
	v24 =	vor.u32 v0, v24  }
0x1d9: {  	v25 =	vor.u32 v1, v25;
	v23 =	vmul.f32 $-1.360569290e+01, v23  }
0x1da: {  	v26 =	vpop (erf)  }
0x1db: {  	v27 =	vor.u32 $0x1, v25;
	v23 =	vmul.f32 v26, v23;
	_ =	sdelay $0x1  }
0x1dc: {  	v38 =	vor.u32 $0x2, v25;
	[tilespmem:v24+s19+$0x0] =	vst.idx.add.f32.msk $0xffff, v23  }
0x1dd: {  	v23 =	vld.idx.msk [tilespmem:v25+s23+$0x0], $0xffff  }
0x1de: {  	v24 =	vld.idx.msk [tilespmem:v25+s24+$0x0], $0xffff  }
0x1df: {  	v28 =	vld.idx.msk [tilespmem:v27+s23+$0x0], $0xffff  }
0x1e0: {  	v27 =	vld.idx.msk [tilespmem:v27+s24+$0x0], $0xffff  }
0x1e1: {  	v29 =	vld.idx.msk [tilespmem:v38+s23+$0x0], $0xffff  }
0x1e2: {  	v26 =	vld.idx.msk [tilespmem:v38+s24+$0x0], $0xffff;
	_ =	sdelay $0x2  }
0x1e3: {  	v23 =	vsub.f32 v24, v23;
	v39 =	vsub.f32 v27, v28;
	_ =	sdelay $0x1  }
0x1e4: {  	v26 =	vsub.f32 v26, v29;
	v23 =	vmul.f32 v23, v23;
	v24 =	vmul.f32 v39, v39;
	_ =	sdelay $0x1  }
0x1e5: {  	v40 =	vmul.f32 v26, v26;
	v23 =	vadd.f32 v24, v23;
	_ =	sdelay $0x1  }
0x1e6: {  	v23 =	vadd.f32 v40, v23;
	_ =	sdelay $0x1  }
0x1e7: {  	v23 =	vmul.f32 $3.571064230e+00, v23;
	_ =	sdelay $0x1  }
0x1e8: {  	v23 =	vadd.f32 $9.999999970e-07, v23;
	_ =	sdelay $0x1  }
0x1e9: {  	(erf) = vrcp.f32 v23;
	_ =	sdelay $0x8  }
0x1ea: {  	v41 =	vpop (erf)  }
0x1eb: {  	v24 =	vmul.f32 $9.000000000e+00, v41  }
0x1ec: {  	v25 =	vor.u32 $0x3, v25  }
0x1ed: {  	v42 =	vmul.f32 v24, v24;
	_ =	sdelay $0x1  }
0x1ee: {  	v43 =	vmul.f32 v42, v42;
	_ =	sdelay $0x1  }
0x1ef: {  	v44 =	vld.idx.msk [tilespmem:v25+s23+$0x0], $0xffff;
	v26 =	vmul.f32 v43, v42  }
0x1f0: {  	v25 =	vld.idx.msk [tilespmem:v25+s24+$0x0], $0xffff  }
0x1f1: {  	v24 =	vmul.f32 v26, v24;
	_ =	sdelay $0x1  }
0x1f2: {  	v45 =	vmul.f32 v23, v23;
	v24 =	vmul.f32 $6.000000000e+00, v24  }
0x1f3: {  	v46 =	vmul.u32 $0x60, v44  }
0x1f4: {  	v47 =	vand.u32 $0xFFFFFFF8, v25;
	v23 =	vmul.f32 v45, v23;
	v24 =	vadd.f32 $1.000000000e+00, v24  }
0x1f5: {  	v25 =	vand.u32 $0x7, v25;
	v26 =	vadd.s32 v46, v47  }
0x1f6: {  	v25 =	vor.u32 v25, v26;
	v23 =	vmul.f32 v24, v23;
	_ =	sdelay $0x1  }
0x1f7: {  	s8 =	sadd.s32 $0x20, s8;
	(erf) = vrcp.f32 v23  }
0x1f8: {  	v23 =	vld [tilespmem:s8+$0xFFFFFFF0];
	_ =	sdelay $0x1  }
0x1f9: {  	v48 =	vld.idx.msk [tilespmem:v25+s18+$0x0], $0xffff;
	_ =	sdelay $0x2  }
0x1fa: {  	v49 =	vmov s9;
	v23 =	vshll.u32 v23, $0x4  }
0x1fb: {  	v25 =	vshll.u32 v49, $0x4;
	v23 =	vor.u32 v0, v23  }
0x1fc: {  	v25 =	vor.u32 v1, v25;
	v24 =	vmul.f32 $-1.360569290e+01, v48  }
0x1fd: {  	v50 =	vor.u32 $0x1, v25;
	v51 =	vpop (erf)  }
0x1fe: {  	v24 =	vmul.f32 v51, v24;
	_ =	sdelay $0x1  }
0x1ff: {  	[tilespmem:v23+s19+$0x0] =	vst.idx.add.f32.msk $0xffff, v24;
	v23 =	vor.u32 $0x2, v25  }
0x200: {  	v24 =	vld.idx.msk [tilespmem:v25+s23+$0x0], $0xffff  }
0x201: {  	v52 =	vld.idx.msk [tilespmem:v50+s23+$0x0], $0xffff  }
0x202: {  	v26 =	vld.idx.msk [tilespmem:v50+s24+$0x0], $0xffff  }
0x203: {  	v53 =	vld.idx.msk [tilespmem:v25+s24+$0x0], $0xffff  }
0x204: {  	v54 =	vld.idx.msk [tilespmem:v23+s24+$0x0], $0xffff  }
0x205: {  	v23 =	vld.idx.msk [tilespmem:v23+s23+$0x0], $0xffff;
	_ =	sdelay $0x2  }
0x206: {  	v26 =	vsub.f32 v26, v52;
	v24 =	vsub.f32 v53, v24;
	_ =	sdelay $0x1  }
0x207: {  	v24 =	vmul.f32 v24, v24;
	v26 =	vmul.f32 v26, v26;
	v23 =	vsub.f32 v54, v23;
	_ =	sdelay $0x1  }
0x208: {  	v24 =	vadd.f32 v26, v24;
	v23 =	vmul.f32 v23, v23;
	_ =	sdelay $0x1  }
0x209: {  	v23 =	vadd.f32 v23, v24;
	_ =	sdelay $0x1  }
0x20a: {  	v23 =	vmul.f32 $3.571064230e+00, v23;
	_ =	sdelay $0x1  }
0x20b: {  	v23 =	vadd.f32 $9.999999970e-07, v23;
	_ =	sdelay $0x1  }
0x20c: {  	(erf) = vrcp.f32 v23;
	_ =	sdelay $0x8  }
0x20d: {  	v55 =	vpop (erf)  }
0x20e: {  	v24 =	vmul.f32 $9.000000000e+00, v55  }
0x20f: {  	v25 =	vor.u32 $0x3, v25  }
0x210: {  	v56 =	vmul.f32 v24, v24;
	_ =	sdelay $0x1  }
0x211: {  	v57 =	vmul.f32 v56, v56;
	_ =	sdelay $0x1  }
0x212: {  	v58 =	vld.idx.msk [tilespmem:v25+s23+$0x0], $0xffff;
	v26 =	vmul.f32 v57, v56  }
0x213: {  	v25 =	vld.idx.msk [tilespmem:v25+s24+$0x0], $0xffff  }
0x214: {  	v24 =	vmul.f32 v26, v24;
	_ =	sdelay $0x1  }
0x215: {  	v59 =	vmul.f32 v23, v23;
	v24 =	vmul.f32 $6.000000000e+00, v24  }
0x216: {  	v60 =	vmul.u32 $0x60, v58  }
0x217: {  	v61 =	vand.u32 $0xFFFFFFF8, v25;
	v23 =	vmul.f32 v59, v23;
	v24 =	vadd.f32 $1.000000000e+00, v24  }
0x218: {  	v25 =	vand.u32 $0x7, v25;
	v26 =	vadd.s32 v60, v61  }
0x219: {  	v25 =	vor.u32 v25, v26;
	v23 =	vmul.f32 v24, v23;
	_ =	sdelay $0x1  }
0x21a: {  	(erf) = vrcp.f32 v23  }
0x21b: {  	v23 =	vld [tilespmem:s8+$0x0];
	_ =	sdelay $0x1  }
0x21c: {  	v62 =	vld.idx.msk [tilespmem:v25+s18+$0x0], $0xffff;
	_ =	sdelay $0x2  }
0x21d: {  	v23 =	vshll.u32 v23, $0x4  }
0x21e: {  	v23 =	vor.u32 v0, v23  }
.Ltmp4:
0x21f: {  	v24 =	vmul.f32 $-1.360569290e+01, v62;
	(pc) =	sbr.rel @!p1 .LBB2_7-.Ltmp4, $3  }
0x220: {  	v63 =	vpop (erf)  }
0x221: {  	v24 =	vmul.f32 v63, v24;
	_ =	sdelay $0x1  }
0x222: {  	[tilespmem:v23+s19+$0x0] =	vst.idx.add.f32.msk $0xffff, v24  }
0x223: {  	_ =	swait.ge [sflag:s20], $0x3200  }
.Ltmp5:
0x224: {  	[sflag:s20] =	ssyncset.done $0x0;
	(pc) =	sbr.rel .LBB2_9-.Ltmp5, $4  }
0x225: {  	[sflag:s20] =	ssyncadd.s32 $0xFFFFCE00  }
0x226: {  	_ =	swait.ge [sflag:s28], $0x3200  }
0x227: {  	[sflag:s28] =	ssyncset.done $0x0  }
0x228: {  	[sflag:s28] =	ssyncadd.s32 $0xFFFFCE00  }
.LBB2_7:
0x229: {  	_ =	swait.ge [sflag:s21], $0x320  }
0x22a: {  	[sflag:s21] =	ssyncset.done $0x0  }
0x22b: {  	[sflag:s21] =	ssyncadd.s32 $0xFFFFFCE0  }
0x22c: {  	_ =	swait.ge [sflag:s21], $0x320  }
0x22d: {  	[sflag:s21] =	ssyncset.done $0x0  }
0x22e: {  	[sflag:s21] =	ssyncadd.s32 $0xFFFFFCE0  }
0x22f: {  	[tilespmem:s23], [sflag:$0x1] =	stream.indirect.gather [hbm4b:s4+s22], $0x10, s3, s22, $0xb8;
	[tilespmem:$0x102E8] =	vst v63  }
0x230: {  	s8 =	simm.s32 $0x320  }
0x231: {  	[tilespmem:s24], [sflag:$0x2] =	stream.indirect.gather [hbm4b:s4+s22], $0x10, s8, s22, $0xb8;
	[tilespmem:$0x102E8] =	vst v63  }
0x232: {  	s11 =	simm.s32 $0x17C0  }
0x233: {  	[tilespmem:s11], [sflag:$0x1] =	stream.indirect.gather [hbm4b:s4+s22], $0x10, s22, s22, $0xb8;
	[tilespmem:$0x102E8] =	vst v63  }
0x234: {  	s12 =	simm.s32 $0x370;
	s9 =	simm.s32 $0x49C0  }
0x235: {  	[tilespmem:s9], [sflag:$0x2] =	stream.indirect.gather [hbm4b:s4+s22], $0x10, s12, s22, $0xb8;
	[tilespmem:$0x102E8] =	vst v63  }
0x236: {  	s10 =	simm.s32 $0x1CC0;
	s9 =	simm.s32 $0xA0  }
0x237: {  	[tilespmem:s10], [sflag:$0x1] =	stream.indirect.gather [hbm4b:s4+s22], $0x10, s9, s22, $0xb8;
	[tilespmem:$0x102E8] =	vst v63  }
0x238: {  	s11 =	simm.s32 $0x3C0;
	s12 =	simm.s32 $0x4EC0  }
0x239: {  	[tilespmem:s12], [sflag:$0x2] =	stream.indirect.gather [hbm4b:s4+s22], $0x10, s11, s22, $0xb8;
	[tilespmem:$0x102E8] =	vst v63  }
0x23a: {  	s9 =	simm.s32 $0xF0;
	s10 =	simm.s32 $0x21C0  }
0x23b: {  	[tilespmem:s10], [sflag:$0x1] =	stream.indirect.gather [hbm4b:s4+s22], $0x10, s9, s22, $0xb8;
	[tilespmem:$0x102E8] =	vst v63  }
0x23c: {  	s11 =	simm.s32 $0x410;
	s12 =	simm.s32 $0x53C0  }
0x23d: {  	[tilespmem:s12], [sflag:$0x2] =	stream.indirect.gather [hbm4b:s4+s22], $0x10, s11, s22, $0xb8;
	[tilespmem:$0x102E8] =	vst v63  }
0x23e: {  	s9 =	simm.s32 $0x140;
	s10 =	simm.s32 $0x26C0  }
0x23f: {  	[tilespmem:s10], [sflag:$0x1] =	stream.indirect.gather [hbm4b:s4+s22], $0x10, s9, s22, $0xb8;
	[tilespmem:$0x102E8] =	vst v63  }
0x240: {  	s11 =	simm.s32 $0x460;
	s12 =	simm.s32 $0x58C0  }
0x241: {  	[tilespmem:s12], [sflag:$0x2] =	stream.indirect.gather [hbm4b:s4+s22], $0x10, s11, s22, $0xb8;
	[tilespmem:$0x102E8] =	vst v63  }
0x242: {  	s9 =	simm.s32 $0x190;
	s10 =	simm.s32 $0x2BC0  }
0x243: {  	[tilespmem:s10], [sflag:$0x1] =	stream.indirect.gather [hbm4b:s4+s22], $0x10, s9, s22, $0xb8;
	[tilespmem:$0x102E8] =	vst v63  }
0x244: {  	s11 =	simm.s32 $0x4B0;
	s12 =	simm.s32 $0x5DC0  }
0x245: {  	[tilespmem:s12], [sflag:$0x2] =	stream.indirect.gather [hbm4b:s4+s22], $0x10, s11, s22, $0xb8;
	[tilespmem:$0x102E8] =	vst v63  }
0x246: {  	s9 =	simm.s32 $0x1E0;
	s10 =	simm.s32 $0x30C0  }
0x247: {  	[tilespmem:s10], [sflag:$0x1] =	stream.indirect.gather [hbm4b:s4+s22], $0x10, s9, s22, $0xb8;
	[tilespmem:$0x102E8] =	vst v63  }
0x248: {  	s11 =	simm.s32 $0x500;
	s12 =	simm.s32 $0x62C0  }
0x249: {  	[tilespmem:s12], [sflag:$0x2] =	stream.indirect.gather [hbm4b:s4+s22], $0x10, s11, s22, $0xb8;
	[tilespmem:$0x102E8] =	vst v63  }
0x24a: {  	s9 =	simm.s32 $0x230;
	s10 =	simm.s32 $0x35C0  }
0x24b: {  	[tilespmem:s10], [sflag:$0x1] =	stream.indirect.gather [hbm4b:s4+s22], $0x10, s9, s22, $0xb8;
	[tilespmem:$0x102E8] =	vst v63  }
0x24c: {  	s11 =	simm.s32 $0x550;
	s12 =	simm.s32 $0x67C0  }
0x24d: {  	[tilespmem:s12], [sflag:$0x2] =	stream.indirect.gather [hbm4b:s4+s22], $0x10, s11, s22, $0xb8;
	[tilespmem:$0x102E8] =	vst v63  }
0x24e: {  	s9 =	simm.s32 $0x280;
	s10 =	simm.s32 $0x3AC0  }
0x24f: {  	[tilespmem:s10], [sflag:$0x1] =	stream.indirect.gather [hbm4b:s4+s22], $0x10, s9, s22, $0xb8;
	[tilespmem:$0x102E8] =	vst v63  }
0x250: {  	s11 =	simm.s32 $0x5A0;
	s12 =	simm.s32 $0x6CC0  }
0x251: {  	[tilespmem:s12], [sflag:$0x2] =	stream.indirect.gather [hbm4b:s4+s22], $0x10, s11, s22, $0xb8;
	[tilespmem:$0x102E8] =	vst v63  }
0x252: {  	s9 =	simm.s32 $0x2D0;
	s10 =	simm.s32 $0x3FC0  }
0x253: {  	[tilespmem:s10], [sflag:$0x1] =	stream.indirect.gather [hbm4b:s4+s22], $0x10, s9, s22, $0xb8;
	[tilespmem:$0x102E8] =	vst v63  }
0x254: {  	s11 =	smul.u32 $0x640, s7;
	s12 =	simm.s32 $0x5F0;
	s10 =	simm.s32 $0x71C0  }
0x255: {  	[tilespmem:s10], [sflag:$0x2] =	stream.indirect.gather [hbm4b:s4+s22], $0x10, s12, s22, $0xb8;
	[tilespmem:$0x102E8] =	vst v63  }
0x256: {  	s8 =	sadd.s32 s11, s15;
	s10 =	sadd.s32 s11, s14  }
0x257: {  	s11 =	sshra.s32 s8, $0x1F;
	s9 =	sshrl.u32 s10, $0x3;
	s10 =	smulhi.u32 $0x66666667, s8  }
0x258: {  	s12 =	simm.s32 $0x640;
	s11 =	smul.u32 $0x66666667, s11;
	s9 =	sadd.s32 s0, s9  }
0x259: {  	[tilespmem:s12], [sflag:$0x7] =	stream.linear.gather [hbm4b:s9+s3], $0x320, $0x38;
	[tilespmem:$0x102E8] =	vst v63  }
0x25a: {  	s11 =	sadd.s32 s11, s10  }
0x25b: {  	s10 =	sshrl.u32 s11, $0x1F;
	s9 =	sshra.s32 s11, $0x5  }
0x25c: {  	s9 =	sadd.s32 s10, s9  }
0x25d: {  	s10 =	smul.u32 $0xFFFFFFB0, s9  }
0x25e: {  	s11 =	ssub.s32 $0x0, s8  }
0x25f: {  	p3 =	slt.s32 s8, $0x0;
	p2 =	sne.s32 s10, s11  }
0x260: {  	p2 =	por !p3, !p2  }
0x261: {  	s8 =	simm.s32 $0x1;
	p2 =	por !p2, !p2  }
0x262: {  	_ =	swait.ge [sflag:s20], $0x3200;
	s8 =	simm.s32 @!p2 $0x0  }
0x263: {  	[sflag:s20] =	ssyncset.done $0x0;
	s8 =	ssub.s32 s9, s8  }
0x264: {  	[sflag:s20] =	ssyncadd.s32 $0xFFFFCE00;
	s8 =	smul.u32 $0x50, s8  }
0x265: {  	_ =	swait.ge [sflag:s28], $0x3200  }
0x266: {  	[sflag:s28] =	ssyncset.done $0x0;
	s8 =	sshrl.u32 s8, $0x3  }
0x267: {  	[sflag:s28] =	ssyncadd.s32 $0xFFFFCE00;
	s11 =	sadd.s32 s5, s8  }
0x268: {  	[tilespmem:s25], [sflag:$0x6] =	stream.linear.gather [hbm4b:s11+s3], $0x320, $0x38;
	[tilespmem:$0x102E8] =	vst v63  }
0x269: {  	s12 =	simm.s32 $0xFA0;
	s8 =	sadd.s32 s6, s8  }
0x26a: {  	[tilespmem:s26], [sflag:$0x6] =	stream.linear.gather [hbm4b:s8+s3], $0x320, $0x38;
	[tilespmem:$0x102E8] =	vst v63  }
.LBB2_9:
0x26b: {  	s8 =	simm.s32 $0x0  }
0x26c: {  	v23 =	vmov s8  }
0x26d: {  	v23 =	vshll.u32 v23, $0x4  }
0x26e: {  	v23 =	vor.u32 v1, v23;
	_ =	sdelay $0x1  }
0x26f: {  	_ =	swait.ge [sflag:s1], $0x320;
	v24 =	vor.u32 $0x1, v23  }
0x270: {  	[sflag:s1] =	ssyncset.done $0x0  }
0x271: {  	[sflag:s1] =	ssyncadd.s32 $0xFFFFFCE0;
	v25 =	vor.u32 $0x2, v23  }
0x272: {  	v26 =	vld.idx.msk [tilespmem:v23+s30+$0x0], $0xffff  }
0x273: {  	v27 =	vld.idx.msk [tilespmem:v23+s31+$0x0], $0xffff  }
0x274: {  	v28 =	vld.idx.msk [tilespmem:v24+s30+$0x0], $0xffff  }
0x275: {  	v24 =	vld.idx.msk [tilespmem:v24+s31+$0x0], $0xffff  }
0x276: {  	v29 =	vld.idx.msk [tilespmem:v25+s30+$0x0], $0xffff  }
0x277: {  	v25 =	vld.idx.msk [tilespmem:v25+s31+$0x0], $0xffff;
	_ =	sdelay $0x2  }
0x278: {  	v26 =	vsub.f32 v27, v26;
	v24 =	vsub.f32 v24, v28;
	_ =	sdelay $0x1  }
0x279: {  	v25 =	vsub.f32 v25, v29;
	v26 =	vmul.f32 v26, v26;
	v24 =	vmul.f32 v24, v24;
	_ =	sdelay $0x1  }
0x27a: {  	v25 =	vmul.f32 v25, v25;
	v24 =	vadd.f32 v24, v26;
	_ =	sdelay $0x1  }
0x27b: {  	v24 =	vadd.f32 v25, v24;
	_ =	sdelay $0x1  }
0x27c: {  	v24 =	vmul.f32 $3.571064230e+00, v24;
	_ =	sdelay $0x1  }
0x27d: {  	v24 =	vadd.f32 $9.999999970e-07, v24;
	_ =	sdelay $0x1  }
0x27e: {  	(erf) = vrcp.f32 v24;
	_ =	sdelay $0x8  }
0x27f: {  	v25 =	vpop (erf)  }
0x280: {  	v25 =	vmul.f32 $9.000000000e+00, v25  }
0x281: {  	v23 =	vor.u32 $0x3, v23  }
0x282: {  	v26 =	vmul.f32 v25, v25;
	_ =	sdelay $0x1  }
0x283: {  	v27 =	vmul.f32 v26, v26;
	_ =	sdelay $0x1  }
0x284: {  	v59 =	vld.idx.msk [tilespmem:v23+s30+$0x0], $0xffff;
	v26 =	vmul.f32 v27, v26  }
0x285: {  	v23 =	vld.idx.msk [tilespmem:v23+s31+$0x0], $0xffff  }
0x286: {  	v25 =	vmul.f32 v26, v25;
	_ =	sdelay $0x1  }
0x287: {  	v26 =	vmul.f32 v24, v24;
	v25 =	vmul.f32 $6.000000000e+00, v25  }
0x288: {  	v27 =	vmul.u32 $0x60, v59  }
0x289: {  	v24 =	vmul.f32 v26, v24;
	v26 =	vand.u32 $0xFFFFFFF8, v23;
	v25 =	vadd.f32 $1.000000000e+00, v25  }
0x28a: {  	v23 =	vand.u32 $0x7, v23;
	v26 =	vadd.s32 v27, v26  }
0x28b: {  	v23 =	vor.u32 v23, v26;
	v24 =	vmul.f32 v25, v24;
	_ =	sdelay $0x1  }
0x28c: {  	s8 =	simm.s32 $0xFB0;
	(erf) = vrcp.f32 v24  }
0x28d: {  	v24 =	vld [tilespmem:s8+$0xFFFFFFF0];
	_ =	sdelay $0x1  }
0x28e: {  	v23 =	vld.idx.msk [tilespmem:v23+s18+$0x0], $0xffff;
	_ =	sdelay $0x1  }
0x28f: {  	s9 =	simm.s32 $0x10  }
0x290: {  	v25 =	vmov s9;
	v24 =	vshll.u32 v24, $0x4  }
0x291: {  	v25 =	vshll.u32 v25, $0x4;
	v24 =	vor.u32 v0, v24  }
0x292: {  	v25 =	vor.u32 v1, v25;
	v23 =	vmul.f32 $-1.360569290e+01, v23  }
0x293: {  	v26 =	vor.u32 $0x1, v25;
	v27 =	vpop (erf)  }
0x294: {  	v23 =	vmul.f32 v27, v23;
	_ =	sdelay $0x1  }
0x295: {  	[tilespmem:v24+s19+$0x0] =	vst.idx.add.f32.msk $0xffff, v23;
	v23 =	vor.u32 $0x2, v25  }
0x296: {  	v24 =	vld.idx.msk [tilespmem:v25+s30+$0x0], $0xffff  }
0x297: {  	v27 =	vld.idx.msk [tilespmem:v26+s30+$0x0], $0xffff  }
0x298: {  	v26 =	vld.idx.msk [tilespmem:v26+s31+$0x0], $0xffff  }
0x299: {  	v60 =	vld.idx.msk [tilespmem:v25+s31+$0x0], $0xffff  }
0x29a: {  	v61 =	vld.idx.msk [tilespmem:v23+s31+$0x0], $0xffff  }
0x29b: {  	v23 =	vld.idx.msk [tilespmem:v23+s30+$0x0], $0xffff;
	_ =	sdelay $0x2  }
0x29c: {  	v26 =	vsub.f32 v26, v27;
	v24 =	vsub.f32 v60, v24;
	_ =	sdelay $0x1  }
0x29d: {  	v24 =	vmul.f32 v24, v24;
	v26 =	vmul.f32 v26, v26;
	v23 =	vsub.f32 v61, v23;
	_ =	sdelay $0x1  }
0x29e: {  	v24 =	vadd.f32 v26, v24;
	v23 =	vmul.f32 v23, v23;
	_ =	sdelay $0x1  }
0x29f: {  	v23 =	vadd.f32 v23, v24;
	_ =	sdelay $0x1  }
0x2a0: {  	v23 =	vmul.f32 $3.571064230e+00, v23;
	_ =	sdelay $0x1  }
0x2a1: {  	v23 =	vadd.f32 $9.999999970e-07, v23;
	_ =	sdelay $0x1  }
0x2a2: {  	(erf) = vrcp.f32 v23;
	_ =	sdelay $0x8  }
0x2a3: {  	v24 =	vor.u32 $0x3, v25;
	v25 =	vpop (erf)  }
0x2a4: {  	v25 =	vmul.f32 $9.000000000e+00, v25;
	_ =	sdelay $0x1  }
0x2a5: {  	v26 =	vmul.f32 v25, v25;
	_ =	sdelay $0x1  }
0x2a6: {  	v27 =	vld.idx.msk [tilespmem:v24+s30+$0x0], $0xffff;
	v62 =	vmul.f32 v26, v26  }
0x2a7: {  	v24 =	vld.idx.msk [tilespmem:v24+s31+$0x0], $0xffff  }
0x2a8: {  	v26 =	vmul.f32 v62, v26;
	_ =	sdelay $0x1  }
0x2a9: {  	v25 =	vmul.f32 v26, v25  }
0x2aa: {  	v26 =	vmul.u32 $0x60, v27  }
0x2ab: {  	v63 =	vand.u32 $0xFFFFFFF8, v24;
	v27 =	vmul.f32 v23, v23;
	v25 =	vmul.f32 $6.000000000e+00, v25  }
0x2ac: {  	v24 =	vand.u32 $0x7, v24;
	v26 =	vadd.s32 v26, v63  }
0x2ad: {  	v23 =	vmul.f32 v27, v23;
	v26 =	vor.u32 v24, v26;
	v24 =	vadd.f32 $1.000000000e+00, v25;
	_ =	sdelay $0x1  }
0x2ae: {  	v23 =	vmul.f32 v24, v23;
	_ =	sdelay $0x1  }
0x2af: {  	(erf) = vrcp.f32 v23  }
0x2b0: {  	v24 =	vld [tilespmem:s8+$0x0];
	_ =	sdelay $0x1  }
0x2b1: {  	s11 =	simm.s32 $0x20;
	v23 =	vld.idx.msk [tilespmem:v26+s18+$0x0], $0xffff  }
0x2b2: {  	s10 =	simm.s32 $0x50;
	s9 =	simm.s32 $0x30;
	v25 =	vmov s11  }
.LBB2_10:
0x2b3: {  	p2 =	sne.s32 s10, $0x310  }
0x2b4: {  	v25 =	vshll.u32 v25, $0x4;
	v24 =	vshll.u32 v24, $0x4;
	s8 =	sadd.s32 $0x20, s8;
	s11 =	smov.u32 s10;
	s10 =	sadd.s32 $0x20, s10  }
0x2b5: {  	v25 =	vor.u32 v1, v25;
	v24 =	vor.u32 v0, v24  }
0x2b6: {  	v23 =	vmul.f32 $-1.360569290e+01, v23;
	v26 =	vor.u32 $0x1, v25;
	v27 =	vor.u32 $0x2, v25  }
0x2b7: {  	v28 =	vpop (erf)  }
0x2b8: {  	v23 =	vmul.f32 v28, v23;
	_ =	sdelay $0x1  }
0x2b9: {  	[tilespmem:v24+s19+$0x0] =	vst.idx.add.f32.msk $0xffff, v23  }
0x2ba: {  	v23 =	vld.idx.msk [tilespmem:v25+s30+$0x0], $0xffff  }
0x2bb: {  	v24 =	vld.idx.msk [tilespmem:v25+s31+$0x0], $0xffff  }
0x2bc: {  	v28 =	vld.idx.msk [tilespmem:v26+s30+$0x0], $0xffff  }
0x2bd: {  	v26 =	vld.idx.msk [tilespmem:v26+s31+$0x0], $0xffff  }
0x2be: {  	v29 =	vld.idx.msk [tilespmem:v27+s30+$0x0], $0xffff  }
0x2bf: {  	v27 =	vld.idx.msk [tilespmem:v27+s31+$0x0], $0xffff;
	_ =	sdelay $0x1  }
0x2c0: {  	v23 =	vsub.f32 v24, v23;
	_ =	sdelay $0x1  }
0x2c1: {  	v24 =	vsub.f32 v26, v28;
	_ =	sdelay $0x1  }
0x2c2: {  	v23 =	vmul.f32 v23, v23;
	v26 =	vsub.f32 v27, v29;
	v24 =	vmul.f32 v24, v24;
	_ =	sdelay $0x1  }
0x2c3: {  	v23 =	vadd.f32 v24, v23;
	v24 =	vmul.f32 v26, v26;
	_ =	sdelay $0x1  }
0x2c4: {  	v23 =	vadd.f32 v24, v23;
	_ =	sdelay $0x1  }
0x2c5: {  	v23 =	vmul.f32 $3.571064230e+00, v23;
	_ =	sdelay $0x1  }
0x2c6: {  	v23 =	vadd.f32 $9.999999970e-07, v23;
	_ =	sdelay $0x1  }
0x2c7: {  	v24 =	vmul.f32 v23, v23;
	(erf) = vrcp.f32 v23;
	_ =	sdelay $0x1  }
0x2c8: {  	v23 =	vmul.f32 v24, v23;
	_ =	sdelay $0x6  }
0x2c9: {  	v24 =	vor.u32 $0x3, v25;
	v25 =	vpop (erf)  }
0x2ca: {  	v25 =	vmul.f32 $9.000000000e+00, v25;
	_ =	sdelay $0x1  }
0x2cb: {  	v26 =	vmul.f32 v25, v25;
	_ =	sdelay $0x1  }
0x2cc: {  	v27 =	vld.idx.msk [tilespmem:v24+s30+$0x0], $0xffff;
	v28 =	vmul.f32 v26, v26  }
0x2cd: {  	v24 =	vld.idx.msk [tilespmem:v24+s31+$0x0], $0xffff  }
0x2ce: {  	v26 =	vmul.f32 v28, v26;
	_ =	sdelay $0x1  }
0x2cf: {  	v25 =	vmul.f32 v26, v25;
	_ =	sdelay $0x1  }
0x2d0: {  	v26 =	vmul.u32 $0x60, v27;
	v25 =	vmul.f32 $6.000000000e+00, v25  }
0x2d1: {  	v27 =	vand.u32 $0xFFFFFFF8, v24  }
0x2d2: {  	v24 =	vand.u32 $0x7, v24;
	v26 =	vadd.s32 v26, v27;
	v25 =	vadd.f32 $1.000000000e+00, v25  }
0x2d3: {  	v24 =	vor.u32 v24, v26  }
0x2d4: {  	v23 =	vmul.f32 v25, v23;
	_ =	sdelay $0x1  }
0x2d5: {  	(erf) = vrcp.f32 v23  }
0x2d6: {  	v23 =	vld [tilespmem:s8+$0xFFFFFFF0]  }
0x2d7: {  	v24 =	vld.idx.msk [tilespmem:v24+s18+$0x0], $0xffff;
	_ =	sdelay $0x3  }
0x2d8: {  	v25 =	vmov s9;
	s9 =	smov.u32 s11;
	v23 =	vshll.u32 v23, $0x4  }
0x2d9: {  	v25 =	vshll.u32 v25, $0x4;
	v23 =	vor.u32 v0, v23  }
0x2da: {  	v25 =	vor.u32 v1, v25;
	v24 =	vmul.f32 $-1.360569290e+01, v24  }
0x2db: {  	v26 =	vor.u32 $0x1, v25;
	v27 =	vpop (erf)  }
0x2dc: {  	v24 =	vmul.f32 v27, v24;
	_ =	sdelay $0x1  }
0x2dd: {  	[tilespmem:v23+s19+$0x0] =	vst.idx.add.f32.msk $0xffff, v24;
	v23 =	vor.u32 $0x2, v25  }
0x2de: {  	v24 =	vld.idx.msk [tilespmem:v25+s30+$0x0], $0xffff  }
0x2df: {  	v27 =	vld.idx.msk [tilespmem:v26+s30+$0x0], $0xffff  }
0x2e0: {  	v26 =	vld.idx.msk [tilespmem:v26+s31+$0x0], $0xffff  }
0x2e1: {  	v28 =	vld.idx.msk [tilespmem:v25+s31+$0x0], $0xffff  }
0x2e2: {  	v29 =	vld.idx.msk [tilespmem:v23+s31+$0x0], $0xffff  }
0x2e3: {  	v23 =	vld.idx.msk [tilespmem:v23+s30+$0x0], $0xffff;
	_ =	sdelay $0x2  }
0x2e4: {  	v26 =	vsub.f32 v26, v27  }
0x2e5: {  	v24 =	vsub.f32 v28, v24;
	_ =	sdelay $0x1  }
0x2e6: {  	v26 =	vmul.f32 v26, v26;
	v23 =	vsub.f32 v29, v23;
	v24 =	vmul.f32 v24, v24;
	_ =	sdelay $0x1  }
0x2e7: {  	v24 =	vadd.f32 v26, v24;
	v23 =	vmul.f32 v23, v23;
	_ =	sdelay $0x1  }
0x2e8: {  	v23 =	vadd.f32 v23, v24;
	_ =	sdelay $0x1  }
0x2e9: {  	v23 =	vmul.f32 $3.571064230e+00, v23;
	_ =	sdelay $0x1  }
0x2ea: {  	v23 =	vadd.f32 $9.999999970e-07, v23;
	_ =	sdelay $0x1  }
0x2eb: {  	v24 =	vmul.f32 v23, v23;
	(erf) = vrcp.f32 v23;
	_ =	sdelay $0x1  }
0x2ec: {  	v23 =	vmul.f32 v24, v23;
	_ =	sdelay $0x6  }
0x2ed: {  	v24 =	vor.u32 $0x3, v25;
	v25 =	vpop (erf)  }
0x2ee: {  	v25 =	vmul.f32 $9.000000000e+00, v25;
	_ =	sdelay $0x1  }
0x2ef: {  	v26 =	vmul.f32 v25, v25;
	_ =	sdelay $0x1  }
0x2f0: {  	v27 =	vld.idx.msk [tilespmem:v24+s30+$0x0], $0xffff;
	v28 =	vmul.f32 v26, v26  }
0x2f1: {  	v24 =	vld.idx.msk [tilespmem:v24+s31+$0x0], $0xffff  }
0x2f2: {  	v26 =	vmul.f32 v28, v26;
	_ =	sdelay $0x1  }
0x2f3: {  	v25 =	vmul.f32 v26, v25;
	_ =	sdelay $0x1  }
0x2f4: {  	v26 =	vmul.u32 $0x60, v27;
	v25 =	vmul.f32 $6.000000000e+00, v25  }
0x2f5: {  	v27 =	vand.u32 $0xFFFFFFF8, v24  }
0x2f6: {  	v24 =	vand.u32 $0x7, v24;
	v26 =	vadd.s32 v26, v27;
	v25 =	vadd.f32 $1.000000000e+00, v25  }
0x2f7: {  	v26 =	vor.u32 v24, v26  }
0x2f8: {  	v23 =	vmul.f32 v25, v23;
	_ =	sdelay $0x1  }
0x2f9: {  	(erf) = vrcp.f32 v23  }
.Ltmp6:
0x2fa: {  	v24 =	vld [tilespmem:s8+$0x0];
	(pc) =	sbr.rel @p2 .LBB2_10-.Ltmp6, $3  }
0x2fb: {  	v23 =	vld.idx.msk [tilespmem:v26+s18+$0x0], $0xffff;
	_ =	sdelay $0x1  }
0x2fc: {  	s11 =	sadd.s32 $0xFFFFFFF0, s9  }
0x2fd: {  	v25 =	vmov s11  }
0x2fe: {  	v24 =	vshll.u32 v24, $0x4  }
0x2ff: {  	v25 =	vshll.u32 v25, $0x4;
	v24 =	vor.u32 v0, v24  }
0x300: {  	v25 =	vor.u32 v1, v25;
	v23 =	vmul.f32 $-1.360569290e+01, v23  }
0x301: {  	v26 =	vpop (erf)  }
0x302: {  	v27 =	vor.u32 $0x1, v25;
	v23 =	vmul.f32 v26, v23;
	_ =	sdelay $0x1  }
0x303: {  	v38 =	vor.u32 $0x2, v25;
	[tilespmem:v24+s19+$0x0] =	vst.idx.add.f32.msk $0xffff, v23  }
0x304: {  	v23 =	vld.idx.msk [tilespmem:v25+s30+$0x0], $0xffff  }
0x305: {  	v24 =	vld.idx.msk [tilespmem:v25+s31+$0x0], $0xffff  }
0x306: {  	v28 =	vld.idx.msk [tilespmem:v27+s30+$0x0], $0xffff  }
0x307: {  	v27 =	vld.idx.msk [tilespmem:v27+s31+$0x0], $0xffff  }
0x308: {  	v29 =	vld.idx.msk [tilespmem:v38+s30+$0x0], $0xffff  }
0x309: {  	v26 =	vld.idx.msk [tilespmem:v38+s31+$0x0], $0xffff;
	_ =	sdelay $0x2  }
0x30a: {  	v23 =	vsub.f32 v24, v23;
	v39 =	vsub.f32 v27, v28;
	_ =	sdelay $0x1  }
0x30b: {  	v26 =	vsub.f32 v26, v29;
	v23 =	vmul.f32 v23, v23;
	v24 =	vmul.f32 v39, v39;
	_ =	sdelay $0x1  }
0x30c: {  	v40 =	vmul.f32 v26, v26;
	v23 =	vadd.f32 v24, v23;
	_ =	sdelay $0x1  }
0x30d: {  	v23 =	vadd.f32 v40, v23;
	_ =	sdelay $0x1  }
0x30e: {  	v23 =	vmul.f32 $3.571064230e+00, v23;
	_ =	sdelay $0x1  }
0x30f: {  	v23 =	vadd.f32 $9.999999970e-07, v23;
	_ =	sdelay $0x1  }
0x310: {  	(erf) = vrcp.f32 v23;
	_ =	sdelay $0x8  }
0x311: {  	v41 =	vpop (erf)  }
0x312: {  	v24 =	vmul.f32 $9.000000000e+00, v41  }
0x313: {  	v25 =	vor.u32 $0x3, v25  }
0x314: {  	v42 =	vmul.f32 v24, v24;
	_ =	sdelay $0x1  }
0x315: {  	v43 =	vmul.f32 v42, v42;
	_ =	sdelay $0x1  }
0x316: {  	v44 =	vld.idx.msk [tilespmem:v25+s30+$0x0], $0xffff;
	v26 =	vmul.f32 v43, v42  }
0x317: {  	v25 =	vld.idx.msk [tilespmem:v25+s31+$0x0], $0xffff  }
0x318: {  	v24 =	vmul.f32 v26, v24;
	_ =	sdelay $0x1  }
0x319: {  	v45 =	vmul.f32 v23, v23;
	v24 =	vmul.f32 $6.000000000e+00, v24  }
0x31a: {  	v46 =	vmul.u32 $0x60, v44  }
0x31b: {  	v47 =	vand.u32 $0xFFFFFFF8, v25;
	v23 =	vmul.f32 v45, v23;
	v24 =	vadd.f32 $1.000000000e+00, v24  }
0x31c: {  	v25 =	vand.u32 $0x7, v25;
	v26 =	vadd.s32 v46, v47  }
0x31d: {  	v25 =	vor.u32 v25, v26;
	v23 =	vmul.f32 v24, v23;
	_ =	sdelay $0x1  }
0x31e: {  	s8 =	sadd.s32 $0x20, s8;
	(erf) = vrcp.f32 v23  }
0x31f: {  	v23 =	vld [tilespmem:s8+$0xFFFFFFF0];
	_ =	sdelay $0x1  }
0x320: {  	v48 =	vld.idx.msk [tilespmem:v25+s18+$0x0], $0xffff;
	_ =	sdelay $0x2  }
0x321: {  	v49 =	vmov s9;
	v23 =	vshll.u32 v23, $0x4  }
0x322: {  	v25 =	vshll.u32 v49, $0x4;
	v23 =	vor.u32 v0, v23  }
0x323: {  	v25 =	vor.u32 v1, v25;
	v24 =	vmul.f32 $-1.360569290e+01, v48  }
0x324: {  	v50 =	vor.u32 $0x1, v25;
	v51 =	vpop (erf)  }
0x325: {  	v24 =	vmul.f32 v51, v24;
	_ =	sdelay $0x1  }
0x326: {  	[tilespmem:v23+s19+$0x0] =	vst.idx.add.f32.msk $0xffff, v24;
	v23 =	vor.u32 $0x2, v25  }
0x327: {  	v24 =	vld.idx.msk [tilespmem:v25+s30+$0x0], $0xffff  }
0x328: {  	v52 =	vld.idx.msk [tilespmem:v50+s30+$0x0], $0xffff  }
0x329: {  	v26 =	vld.idx.msk [tilespmem:v50+s31+$0x0], $0xffff  }
0x32a: {  	v53 =	vld.idx.msk [tilespmem:v25+s31+$0x0], $0xffff  }
0x32b: {  	v54 =	vld.idx.msk [tilespmem:v23+s31+$0x0], $0xffff  }
0x32c: {  	v23 =	vld.idx.msk [tilespmem:v23+s30+$0x0], $0xffff;
	_ =	sdelay $0x2  }
0x32d: {  	v26 =	vsub.f32 v26, v52;
	v24 =	vsub.f32 v53, v24;
	_ =	sdelay $0x1  }
0x32e: {  	v24 =	vmul.f32 v24, v24;
	v26 =	vmul.f32 v26, v26;
	v23 =	vsub.f32 v54, v23;
	_ =	sdelay $0x1  }
0x32f: {  	v24 =	vadd.f32 v26, v24;
	v23 =	vmul.f32 v23, v23;
	_ =	sdelay $0x1  }
0x330: {  	v23 =	vadd.f32 v23, v24;
	_ =	sdelay $0x1  }
0x331: {  	v23 =	vmul.f32 $3.571064230e+00, v23;
	_ =	sdelay $0x1  }
0x332: {  	v23 =	vadd.f32 $9.999999970e-07, v23;
	_ =	sdelay $0x1  }
0x333: {  	(erf) = vrcp.f32 v23;
	_ =	sdelay $0x8  }
0x334: {  	v55 =	vpop (erf)  }
0x335: {  	v24 =	vmul.f32 $9.000000000e+00, v55  }
0x336: {  	v25 =	vor.u32 $0x3, v25  }
0x337: {  	v56 =	vmul.f32 v24, v24;
	_ =	sdelay $0x1  }
0x338: {  	v57 =	vmul.f32 v56, v56;
	_ =	sdelay $0x1  }
0x339: {  	v58 =	vld.idx.msk [tilespmem:v25+s30+$0x0], $0xffff;
	v26 =	vmul.f32 v57, v56  }
0x33a: {  	v25 =	vld.idx.msk [tilespmem:v25+s31+$0x0], $0xffff  }
0x33b: {  	v24 =	vmul.f32 v26, v24;
	_ =	sdelay $0x1  }
0x33c: {  	v59 =	vmul.f32 v23, v23;
	v24 =	vmul.f32 $6.000000000e+00, v24  }
0x33d: {  	v60 =	vmul.u32 $0x60, v58  }
0x33e: {  	v61 =	vand.u32 $0xFFFFFFF8, v25;
	v23 =	vmul.f32 v59, v23;
	v24 =	vadd.f32 $1.000000000e+00, v24  }
0x33f: {  	v25 =	vand.u32 $0x7, v25;
	v26 =	vadd.s32 v60, v61  }
0x340: {  	v25 =	vor.u32 v25, v26;
	v23 =	vmul.f32 v24, v23;
	_ =	sdelay $0x1  }
0x341: {  	(erf) = vrcp.f32 v23  }
0x342: {  	v23 =	vld [tilespmem:s8+$0x0];
	_ =	sdelay $0x1  }
0x343: {  	v62 =	vld.idx.msk [tilespmem:v25+s18+$0x0], $0xffff;
	_ =	sdelay $0x2  }
0x344: {  	v23 =	vshll.u32 v23, $0x4  }
0x345: {  	v23 =	vor.u32 v0, v23  }
.Ltmp7:
0x346: {  	v24 =	vmul.f32 $-1.360569290e+01, v62;
	(pc) =	sbr.rel @p1 .LBB2_13-.Ltmp7, $3  }
0x347: {  	v63 =	vpop (erf)  }
0x348: {  	v24 =	vmul.f32 v63, v24;
	_ =	sdelay $0x1  }
0x349: {  	[tilespmem:v23+s19+$0x0] =	vst.idx.add.f32.msk $0xffff, v24  }
0x34a: {  	s8 =	smul.u32 $0x640, s7  }
.Ltmp8:
0x34b: {  	_ = 	snop;
	(pc) =	sbr.rel .LBB2_4-.Ltmp8, $4  }
0x34c: {  	s8 =	sadd.s32 s8, s15  }
0x34d: {  	s8 =	sshrl.u32 s8, $0x3  }
0x34e: {  	s7 =	sadd.s32 $0x1, s7;
	s8 =	sadd.s32 s0, s8  }
0x34f: {  	[tilespmem:s12], [sflag:$0x8] =	stream.linear.gather [hbm4b:s8+s3], $0x320, $0x38;
	[tilespmem:$0x102E8] =	vst v63  }
.LBB2_14:
0x350: {  	_ =	sfence.sel $0x180000  }
0x351: {  	[bflag:$0x0] =	sbarrier.arrive $0xFFFF  }
0x352: {  	_ =	strace $0x90000047  }
0x353: {  	[bflag:$0x2] =	sbarrier.arrive $0xFFFF  }
0x354: {  	s0 =	rddreg [dreg:$0x4]  }
0x355: {  	s0 =	sadd.s32 @!p0 $0x100000, s0  }
0x356: {  	[sflag:s0] =	ssyncadd.tile.s32 @!p0 $0x1;
	_ =	shalt  }
.Lfunc_end2:
_tile_overlayer_lowered:
.L_overlay_start_2:
0x357: {  	(tag) =	ssettag $0x2  }
0x358: {  	s0 =	rddreg [dreg:$0x0];
	s2 =	stileid.u32  }
0x359: {  	s1 =	rddreg [dreg:$0x1];
	p0 =	sne.s32 s2, $0x0  }
0x35a: {  	s3 =	rddreg [dreg:$0x2];
	[bflag:$0x3] =	sbarrier.arrive $0xFFFF;
	s2 =	simm.s32 @!p0 $0x1C09  }
0x35b: {  	[timem:s3], [sflag:s2] =	dma.local @!p0 [hbm:s0], s1  }
0x35c: {  	s0 =	simm.s32 @!p0 $0x9  }
0x35d: {  	_ =	swait.ge @!p0 [sflag:s0], s1  }
0x35e: {  	s1 =	ssub.s32 @!p0 $0x0, s1;
	[sflag:s0] =	ssyncset.done @!p0 $0x0  }
0x35f: {  	[sflag:s0] =	ssyncadd.s32 @!p0 s1  }
0x360: {  	[bflag:$0x3] =	sbarrier.arrive $0xFFFF  }
0x361: {  	_ =	shalt  }

</sc_bundles>
